<compile_context>
chip_gen: v7x
topology: tpu7x:2x2x1
jax: 0.10.2.dev20260603
libtpu: 0.0.44.dev20260713+nightly
codegen_flags: <defaults>
</compile_context>

<pallas_src>
import jax
import jax.numpy as jnp
from jax import lax
from jax.experimental import pallas as pl
from jax.experimental.pallas import tpu as pltpu
from jax.experimental.pallas import tpu_sc as plsc

_B, _C_IN, _N = 4, 384, 576
_D, _K = 64, 512

_NC, _NS = 2, 16
_NW = _NC * _NS
_BN = _B * _N
_PW = _BN // _NW
_KR = _K // 16


def _tc_body(z_ref, w_ref, emb_ref, md_ref, mi_ref, zn_ref, en_ref):
    zb = z_ref[0]
    w = w_ref[...]
    emb = emb_ref[...]
    ze = lax.dot_general(w, zb, (((1,), (0,)), ((), ())))
    dot = lax.dot_general(emb, ze, (((1,), (0,)), ((), ())),
                          precision=lax.Precision.HIGHEST)
    emb2 = jnp.sum(emb * emb, axis=1, keepdims=True)
    ze2 = jnp.sum(ze * ze, axis=0, keepdims=True)
    scores = emb2 - 2.0 * dot
    smin = jnp.min(scores, axis=0, keepdims=True)
    kio = lax.broadcasted_iota(jnp.int32, (_K, _N), 0)
    mi = jnp.min(jnp.where(scores == smin, kio, _K), axis=0, keepdims=True)
    md_ref[...] = (smin + ze2)[None]
    mi_ref[...] = mi[None]
    zn_ref[...] = jnp.sqrt(ze2)[None]
    en_ref[...] = jnp.sqrt(emb2)


_tc_stage = pl.pallas_call(
    _tc_body,
    grid=(_B,),
    in_specs=[
        pl.BlockSpec((1, _C_IN, _N), lambda b: (b, 0, 0)),
        pl.BlockSpec((_D, _C_IN), lambda b: (0, 0)),
        pl.BlockSpec((_K, _D), lambda b: (0, 0)),
    ],
    out_specs=[
        pl.BlockSpec((1, 1, _N), lambda b: (b, 0, 0)),
        pl.BlockSpec((1, 1, _N), lambda b: (b, 0, 0)),
        pl.BlockSpec((1, 1, _N), lambda b: (b, 0, 0)),
        pl.BlockSpec((_K, 1), lambda b: (0, 0)),
    ],
    out_shape=[
        jax.ShapeDtypeStruct((_B, 1, _N), jnp.float32),
        jax.ShapeDtypeStruct((_B, 1, _N), jnp.int32),
        jax.ShapeDtypeStruct((_B, 1, _N), jnp.float32),
        jax.ShapeDtypeStruct((_K, 1), jnp.float32),
    ],
)


def _sc_body(emb_hbm, idx_hbm, rows_out, hist_out,
             idx_v, rows_v, hist_v, hist_m, id_v, shist, sem):
    cid = lax.axis_index("c")
    sid = lax.axis_index("s")
    wid = sid * _NC + cid
    base = wid * _PW

    lanes = lax.iota(jnp.int32, 16)
    zeros = jnp.zeros((16,), jnp.float32)
    ones = jnp.ones((16,), jnp.float32)

    for r in range(_KR):
        hist_v[pl.ds(r * 16, 16)] = zeros
        hist_m[r] = zeros
    id_v[pl.ds(0, 16)] = lanes
    id_v[pl.ds(16, 16)] = lanes + 16

    @pl.when(sid == 0)
    def _():
        pltpu.sync_copy(hist_m, shist)

    plsc.subcore_barrier()

    pltpu.sync_copy(idx_hbm.at[pl.ds(base, _PW)], idx_v)
    pltpu.async_copy(emb_hbm.at[idx_v], rows_v, sem).wait()
    pltpu.sync_copy(rows_v, rows_out.at[pl.ds(base, _PW)])

    for off in (0, 16, 32, 48, 56):
        idx16 = idx_v[pl.ds(off, 16)]
        lo = 8 if off == 56 else 0
        for j in range(lo, 16):
            plsc.addupdate_scatter(hist_v, [idx16], ones, mask=lanes == j)

    for r in range(_KR):
        hist_m[r] = hist_v[pl.ds(r * 16, 16)]
    pltpu.sync_copy(hist_m, shist.at[id_v], add=True)
    plsc.subcore_barrier()

    @pl.when(sid == 0)
    def _():
        pltpu.sync_copy(shist, hist_out.at[cid])


_sc_stage_cache = []


def _sc_stage():
    if not _sc_stage_cache:
        _sc_stage_cache.append(pl.kernel(
            _sc_body,
            out_type=[
                jax.ShapeDtypeStruct((_BN, _D), jnp.float32),
                jax.ShapeDtypeStruct((_NC, _KR, 16), jnp.float32),
            ],
            mesh=plsc.VectorSubcoreMesh(core_axis_name="c",
                                        subcore_axis_name="s",
                                        num_cores=_NC, num_subcores=_NS),
            compiler_params=pltpu.CompilerParams(needs_layout_passes=False,
                                                 use_tc_tiling_on_sc=False),
            scratch_types=[
                pltpu.VMEM((_PW,), jnp.int32),
                pltpu.VMEM((_PW, _D), jnp.float32),
                pltpu.VMEM((_K,), jnp.float32),
                pltpu.VMEM((_KR, 16), jnp.float32),
                pltpu.VMEM((_KR,), jnp.int32),
                pltpu.VMEM_SHARED((_KR, 16), jnp.float32),
                pltpu.SemaphoreType.DMA,
            ],
        ))
    return _sc_stage_cache[0]


def kernel(z, W, emb):
    md3, mi3, zn3, en2 = _tc_stage(z, W, emb)
    min_dist = md3.reshape(_B, _N)
    ze_norm = zn3.reshape(_B, _N)
    emb_norm = en2.reshape(_K)
    idx = mi3.reshape(_BN)
    rows, hist_parts = _sc_stage()(emb, idx)
    zq = rows.reshape(_B, _N, _D).transpose(0, 2, 1)
    ind_hist = hist_parts.reshape(_NC, _K).sum(axis=0)
    return zq, min_dist, ind_hist, ze_norm, emb_norm

# --- scband reference (transcript-rebuilt; emitter-appended) ---
"""Pipeline reference for scband-vq-16243566313849 (READ-ONLY COPY).

The authoritative reference and input builder live on the scoring server;
editing this copy changes nothing except your own understanding.
"""

import jax, jax.numpy as jnp
import numpy as np

B, C_IN, N = 4, 384, 576
D, K = 64, 512

def setup_inputs(seed: int = 0) -> dict:
    key = jax.random.key(seed)
    k1, k2, k3 = jax.random.split(key, 3)
    z = jax.random.normal(k1, (B, C_IN, N), dtype=jnp.float32)
    # xavier_uniform for 1x1 conv weight (D, C_IN): fan_in=C_IN, fan_out=D
    lim_w = float(np.sqrt(6.0 / (C_IN + D)))
    W = jax.random.uniform(k2, (D, C_IN), minval=-lim_w, maxval=lim_w, dtype=jnp.float32)
    # xavier_uniform for emb (K, D)
    lim_e = float(np.sqrt(6.0 / (K + D)))
    emb = jax.random.uniform(k3, (K, D), minval=-lim_e, maxval=lim_e, dtype=jnp.float32)
    return {"z": z, "W": W, "emb": emb}

def reference(z, W, emb):
    # ze = Conv1d(n_in, d, kernel=1, bias=False)(z)  -> (B, Q, N)
    ze = jnp.einsum('dc,bcn->bdn', W, z)
    sg_emb = jax.lax.stop_gradient(emb)  # (K, Q)
    # l2norm_sq: ((ze[:,None,:,:] - emb[None,:,:,None])**2).sum(dim=2) -> (B, K, N)
    diff = ze[:, None, :, :] - sg_emb[None, :, :, None]
    l2norm_sq = (diff ** 2).sum(axis=2)
    min_dist = jnp.min(l2norm_sq, axis=1)        # (B, N)
    min_ind = jnp.argmin(l2norm_sq, axis=1)      # (B, N)
    # gather_md(sg_emb, 0, min_ind) -> (Q, B, N); .permute(1,0,2) -> (B, Q, N)
    zq = jnp.transpose(sg_emb[min_ind], (0, 2, 1))  # (B, Q, N)
    # ReplaceGrad: forward = zq, backward grads routed to ze
    zq_rg = ze + jax.lax.stop_gradient(zq - ze)
    # int_hist(min_ind, accu=ind_hist) side effect (buffer starts at zeros)
    ind_hist = jnp.bincount(min_ind.reshape(-1), length=K).astype(jnp.float32)
    ze_norm = jnp.sqrt((ze ** 2).sum(axis=1))   # (B, N)
    emb_norm = jnp.sqrt((emb ** 2).sum(axis=1)) # (K,)
    return zq_rg, min_dist, ind_hist, ze_norm, emb_norm

if __name__ == "__main__":
    import jax
    _d = setup_inputs()
    print(jax.jit(kernel)(*tuple(_d.values())))

</pallas_src>

<mosaic_0001>
#map = affine_map<(d0, d1) -> (0, 0)>
#map1 = affine_map<(d0, d1) -> (0)>
#map2 = affine_map<(d0, d1) -> (0, 0, 0)>
module attributes {stable_mosaic.version = 14 : i64} {
  func.func @_sc_body(%arg0: i32, %arg1: i32, %arg2: memref<512x64xf32, #tpu.memory_space<hbm>>, %arg3: memref<2304xi32, #tpu.memory_space<hbm>>, %arg4: memref<2304x64xf32, #tpu.memory_space<hbm>>, %arg5: memref<2x32x16xf32, #tpu.memory_space<hbm>>, %arg6: memref<72xi32, #tpu.memory_space<vmem>>, %arg7: memref<72x64xf32, #tpu.memory_space<vmem>>, %arg8: memref<512xf32, #tpu.memory_space<vmem>>, %arg9: memref<32x16xf32, #tpu.memory_space<vmem>>, %arg10: memref<32xi32, #tpu.memory_space<vmem>>, %arg11: memref<32x16xf32, #tpu.memory_space<vmem_shared>>, %arg12: memref<!tpu.dma_semaphore, #tpu.memory_space<semaphore_mem>>) attributes {dimension_semantics = [#tpu.dimension_semantics<core_parallel>, #tpu.dimension_semantics<subcore_parallel>], iteration_bounds = array<i64: 2, 16>, scalar_prefetch = 0 : i64, scratch_operands = 7 : i64, tpu.core_type = #tpu.core_type<sc_vector_subcore>, window_params = [{transform_indices = #map}, {transform_indices = #map1}, {transform_indices = #map}, {transform_indices = #map2}]} {
    %mul3A = arith.constant 2 : i32
    %mul3A_0 = arith.muli %arg1, %mul3A : i32
    %add3A = arith.addi %mul3A_0, %arg0 : i32
    %mul3A_1 = arith.constant 72 : i32
    %mul3A_2 = arith.muli %add3A, %mul3A_1 : i32
    %iota3A = tpu.iota {dimensions = array<i32: 0>} : vector<16xi32>
    %broadcast_in_dim3A = arith.constant 0.000000e+00 : f32
    %broadcast_in_dim3A_3 = vector.broadcast %broadcast_in_dim3A : f32 to vector<16xf32>
    %broadcast_in_dim3A_4 = arith.constant 1.000000e+00 : f32
    %broadcast_in_dim3A_5 = vector.broadcast %broadcast_in_dim3A_4 : f32 to vector<16xf32>
    %swap3A = arith.constant 0 : index
    %swap3A_6 = tpu.vector_load %arg8[%swap3A] {strides = array<i32>} : memref<512xf32, #tpu.memory_space<vmem>>, vector<16xf32>,
    tpu.vector_store %arg8[%swap3A], %broadcast_in_dim3A_3 {strides = array<i32>} : memref<512xf32, #tpu.memory_space<vmem>>, vector<16xf32>,
    %swap3A_7 = arith.constant 0 : i32
    %swap3A_8 = arith.index_cast %swap3A_7 : i32 to index
    %swap3A_9 = arith.constant 0 : index
    %swap3A_10 = tpu.vector_load %arg9[%swap3A_8, %swap3A_9] {strides = array<i32>} : memref<32x16xf32, #tpu.memory_space<vmem>>, vector<16xf32>,
    tpu.vector_store %arg9[%swap3A_8, %swap3A_9], %broadcast_in_dim3A_3 {strides = array<i32>} : memref<32x16xf32, #tpu.memory_space<vmem>>, vector<16xf32>,
    %swap3A_11 = arith.constant 16 : index
    %swap3A_12 = tpu.vector_load %arg8[%swap3A_11] {strides = array<i32>} : memref<512xf32, #tpu.memory_space<vmem>>, vector<16xf32>,
    tpu.vector_store %arg8[%swap3A_11], %broadcast_in_dim3A_3 {strides = array<i32>} : memref<512xf32, #tpu.memory_space<vmem>>, vector<16xf32>,
    %swap3A_13 = arith.constant 1 : i32
    %swap3A_14 = arith.index_cast %swap3A_13 : i32 to index
    %swap3A_15 = arith.constant 0 : index
    %swap3A_16 = tpu.vector_load %arg9[%swap3A_14, %swap3A_15] {strides = array<i32>} : memref<32x16xf32, #tpu.memory_space<vmem>>, vector<16xf32>,
    tpu.vector_store %arg9[%swap3A_14, %swap3A_15], %broadcast_in_dim3A_3 {strides = array<i32>} : memref<32x16xf32, #tpu.memory_space<vmem>>, vector<16xf32>,
    %swap3A_17 = arith.constant 32 : index
    %swap3A_18 = tpu.vector_load %arg8[%swap3A_17] {strides = array<i32>} : memref<512xf32, #tpu.memory_space<vmem>>, vector<16xf32>,
    tpu.vector_store %arg8[%swap3A_17], %broadcast_in_dim3A_3 {strides = array<i32>} : memref<512xf32, #tpu.memory_space<vmem>>, vector<16xf32>,
    %swap3A_19 = arith.constant 2 : i32
    %swap3A_20 = arith.index_cast %swap3A_19 : i32 to index
    %swap3A_21 = arith.constant 0 : index
    %swap3A_22 = tpu.vector_load %arg9[%swap3A_20, %swap3A_21] {strides = array<i32>} : memref<32x16xf32, #tpu.memory_space<vmem>>, vector<16xf32>,
    tpu.vector_store %arg9[%swap3A_20, %swap3A_21], %broadcast_in_dim3A_3 {strides = array<i32>} : memref<32x16xf32, #tpu.memory_space<vmem>>, vector<16xf32>,
    %swap3A_23 = arith.constant 48 : index
    %swap3A_24 = tpu.vector_load %arg8[%swap3A_23] {strides = array<i32>} : memref<512xf32, #tpu.memory_space<vmem>>, vector<16xf32>,
    tpu.vector_store %arg8[%swap3A_23], %broadcast_in_dim3A_3 {strides = array<i32>} : memref<512xf32, #tpu.memory_space<vmem>>, vector<16xf32>,
    %swap3A_25 = arith.constant 3 : i32
    %swap3A_26 = arith.index_cast %swap3A_25 : i32 to index
    %swap3A_27 = arith.constant 0 : index
    %swap3A_28 = tpu.vector_load %arg9[%swap3A_26, %swap3A_27] {strides = array<i32>} : memref<32x16xf32, #tpu.memory_space<vmem>>, vector<16xf32>,
    tpu.vector_store %arg9[%swap3A_26, %swap3A_27], %broadcast_in_dim3A_3 {strides = array<i32>} : memref<32x16xf32, #tpu.memory_space<vmem>>, vector<16xf32>,
    %swap3A_29 = arith.constant 64 : index
    %swap3A_30 = tpu.vector_load %arg8[%swap3A_29] {strides = array<i32>} : memref<512xf32, #tpu.memory_space<vmem>>, vector<16xf32>,
    tpu.vector_store %arg8[%swap3A_29], %broadcast_in_dim3A_3 {strides = array<i32>} : memref<512xf32, #tpu.memory_space<vmem>>, vector<16xf32>,
    %swap3A_31 = arith.constant 4 : i32
    %swap3A_32 = arith.index_cast %swap3A_31 : i32 to index
    %swap3A_33 = arith.constant 0 : index
    %swap3A_34 = tpu.vector_load %arg9[%swap3A_32, %swap3A_33] {strides = array<i32>} : memref<32x16xf32, #tpu.memory_space<vmem>>, vector<16xf32>,
    tpu.vector_store %arg9[%swap3A_32, %swap3A_33], %broadcast_in_dim3A_3 {strides = array<i32>} : memref<32x16xf32, #tpu.memory_space<vmem>>, vector<16xf32>,
    %swap3A_35 = arith.constant 80 : index
    %swap3A_36 = tpu.vector_load %arg8[%swap3A_35] {strides = array<i32>} : memref<512xf32, #tpu.memory_space<vmem>>, vector<16xf32>,
    tpu.vector_store %arg8[%swap3A_35], %broadcast_in_dim3A_3 {strides = array<i32>} : memref<512xf32, #tpu.memory_space<vmem>>, vector<16xf32>,
    %swap3A_37 = arith.constant 5 : i32
    %swap3A_38 = arith.index_cast %swap3A_37 : i32 to index
    %swap3A_39 = arith.constant 0 : index
    %swap3A_40 = tpu.vector_load %arg9[%swap3A_38, %swap3A_39] {strides = array<i32>} : memref<32x16xf32, #tpu.memory_space<vmem>>, vector<16xf32>,
    tpu.vector_store %arg9[%swap3A_38, %swap3A_39], %broadcast_in_dim3A_3 {strides = array<i32>} : memref<32x16xf32, #tpu.memory_space<vmem>>, vector<16xf32>,
    %swap3A_41 = arith.constant 96 : index
    %swap3A_42 = tpu.vector_load %arg8[%swap3A_41] {strides = array<i32>} : memref<512xf32, #tpu.memory_space<vmem>>, vector<16xf32>,
    tpu.vector_store %arg8[%swap3A_41], %broadcast_in_dim3A_3 {strides = array<i32>} : memref<512xf32, #tpu.memory_space<vmem>>, vector<16xf32>,
    %swap3A_43 = arith.constant 6 : i32
    %swap3A_44 = arith.index_cast %swap3A_43 : i32 to index
    %swap3A_45 = arith.constant 0 : index
    %swap3A_46 = tpu.vector_load %arg9[%swap3A_44, %swap3A_45] {strides = array<i32>} : memref<32x16xf32, #tpu.memory_space<vmem>>, vector<16xf32>,
    tpu.vector_store %arg9[%swap3A_44, %swap3A_45], %broadcast_in_dim3A_3 {strides = array<i32>} : memref<32x16xf32, #tpu.memory_space<vmem>>, vector<16xf32>,
    %swap3A_47 = arith.constant 112 : index
    %swap3A_48 = tpu.vector_load %arg8[%swap3A_47] {strides = array<i32>} : memref<512xf32, #tpu.memory_space<vmem>>, vector<16xf32>,
    tpu.vector_store %arg8[%swap3A_47], %broadcast_in_dim3A_3 {strides = array<i32>} : memref<512xf32, #tpu.memory_space<vmem>>, vector<16xf32>,
    %swap3A_49 = arith.constant 7 : i32
    %swap3A_50 = arith.index_cast %swap3A_49 : i32 to index
    %swap3A_51 = arith.constant 0 : index
    %swap3A_52 = tpu.vector_load %arg9[%swap3A_50, %swap3A_51] {strides = array<i32>} : memref<32x16xf32, #tpu.memory_space<vmem>>, vector<16xf32>,
    tpu.vector_store %arg9[%swap3A_50, %swap3A_51], %broadcast_in_dim3A_3 {strides = array<i32>} : memref<32x16xf32, #tpu.memory_space<vmem>>, vector<16xf32>,
    %swap3A_53 = arith.constant 128 : index
    %swap3A_54 = tpu.vector_load %arg8[%swap3A_53] {strides = array<i32>} : memref<512xf32, #tpu.memory_space<vmem>>, vector<16xf32>,
    tpu.vector_store %arg8[%swap3A_53], %broadcast_in_dim3A_3 {strides = array<i32>} : memref<512xf32, #tpu.memory_space<vmem>>, vector<16xf32>,
    %swap3A_55 = arith.constant 8 : i32
    %swap3A_56 = arith.index_cast %swap3A_55 : i32 to index
    %swap3A_57 = arith.constant 0 : index
    %swap3A_58 = tpu.vector_load %arg9[%swap3A_56, %swap3A_57] {strides = array<i32>} : memref<32x16xf32, #tpu.memory_space<vmem>>, vector<16xf32>,
    tpu.vector_store %arg9[%swap3A_56, %swap3A_57], %broadcast_in_dim3A_3 {strides = array<i32>} : memref<32x16xf32, #tpu.memory_space<vmem>>, vector<16xf32>,
    %swap3A_59 = arith.constant 144 : index
    %swap3A_60 = tpu.vector_load %arg8[%swap3A_59] {strides = array<i32>} : memref<512xf32, #tpu.memory_space<vmem>>, vector<16xf32>,
    tpu.vector_store %arg8[%swap3A_59], %broadcast_in_dim3A_3 {strides = array<i32>} : memref<512xf32, #tpu.memory_space<vmem>>, vector<16xf32>,
    %swap3A_61 = arith.constant 9 : i32
    %swap3A_62 = arith.index_cast %swap3A_61 : i32 to index
    %swap3A_63 = arith.constant 0 : index
    %swap3A_64 = tpu.vector_load %arg9[%swap3A_62, %swap3A_63] {strides = array<i32>} : memref<32x16xf32, #tpu.memory_space<vmem>>, vector<16xf32>,
    tpu.vector_store %arg9[%swap3A_62, %swap3A_63], %broadcast_in_dim3A_3 {strides = array<i32>} : memref<32x16xf32, #tpu.memory_space<vmem>>, vector<16xf32>,
    %swap3A_65 = arith.constant 160 : index
    %swap3A_66 = tpu.vector_load %arg8[%swap3A_65] {strides = array<i32>} : memref<512xf32, #tpu.memory_space<vmem>>, vector<16xf32>,
    tpu.vector_store %arg8[%swap3A_65], %broadcast_in_dim3A_3 {strides = array<i32>} : memref<512xf32, #tpu.memory_space<vmem>>, vector<16xf32>,
    %swap3A_67 = arith.constant 10 : i32
    %swap3A_68 = arith.index_cast %swap3A_67 : i32 to index
    %swap3A_69 = arith.constant 0 : index
    %swap3A_70 = tpu.vector_load %arg9[%swap3A_68, %swap3A_69] {strides = array<i32>} : memref<32x16xf32, #tpu.memory_space<vmem>>, vector<16xf32>,
    tpu.vector_store %arg9[%swap3A_68, %swap3A_69], %broadcast_in_dim3A_3 {strides = array<i32>} : memref<32x16xf32, #tpu.memory_space<vmem>>, vector<16xf32>,
    %swap3A_71 = arith.constant 176 : index
    %swap3A_72 = tpu.vector_load %arg8[%swap3A_71] {strides = array<i32>} : memref<512xf32, #tpu.memory_space<vmem>>, vector<16xf32>,
    tpu.vector_store %arg8[%swap3A_71], %broadcast_in_dim3A_3 {strides = array<i32>} : memref<512xf32, #tpu.memory_space<vmem>>, vector<16xf32>,
    %swap3A_73 = arith.constant 11 : i32
    %swap3A_74 = arith.index_cast %swap3A_73 : i32 to index
    %swap3A_75 = arith.constant 0 : index
    %swap3A_76 = tpu.vector_load %arg9[%swap3A_74, %swap3A_75] {strides = array<i32>} : memref<32x16xf32, #tpu.memory_space<vmem>>, vector<16xf32>,
    tpu.vector_store %arg9[%swap3A_74, %swap3A_75], %broadcast_in_dim3A_3 {strides = array<i32>} : memref<32x16xf32, #tpu.memory_space<vmem>>, vector<16xf32>,
    %swap3A_77 = arith.constant 192 : index
    %swap3A_78 = tpu.vector_load %arg8[%swap3A_77] {strides = array<i32>} : memref<512xf32, #tpu.memory_space<vmem>>, vector<16xf32>,
    tpu.vector_store %arg8[%swap3A_77], %broadcast_in_dim3A_3 {strides = array<i32>} : memref<512xf32, #tpu.memory_space<vmem>>, vector<16xf32>,
    %swap3A_79 = arith.constant 12 : i32
    %swap3A_80 = arith.index_cast %swap3A_79 : i32 to index
    %swap3A_81 = arith.constant 0 : index
    %swap3A_82 = tpu.vector_load %arg9[%swap3A_80, %swap3A_81] {strides = array<i32>} : memref<32x16xf32, #tpu.memory_space<vmem>>, vector<16xf32>,
    tpu.vector_store %arg9[%swap3A_80, %swap3A_81], %broadcast_in_dim3A_3 {strides = array<i32>} : memref<32x16xf32, #tpu.memory_space<vmem>>, vector<16xf32>,
    %swap3A_83 = arith.constant 208 : index
    %swap3A_84 = tpu.vector_load %arg8[%swap3A_83] {strides = array<i32>} : memref<512xf32, #tpu.memory_space<vmem>>, vector<16xf32>,
    tpu.vector_store %arg8[%swap3A_83], %broadcast_in_dim3A_3 {strides = array<i32>} : memref<512xf32, #tpu.memory_space<vmem>>, vector<16xf32>,
    %swap3A_85 = arith.constant 13 : i32
    %swap3A_86 = arith.index_cast %swap3A_85 : i32 to index
    %swap3A_87 = arith.constant 0 : index
    %swap3A_88 = tpu.vector_load %arg9[%swap3A_86, %swap3A_87] {strides = array<i32>} : memref<32x16xf32, #tpu.memory_space<vmem>>, vector<16xf32>,
    tpu.vector_store %arg9[%swap3A_86, %swap3A_87], %broadcast_in_dim3A_3 {strides = array<i32>} : memref<32x16xf32, #tpu.memory_space<vmem>>, vector<16xf32>,
    %swap3A_89 = arith.constant 224 : index
    %swap3A_90 = tpu.vector_load %arg8[%swap3A_89] {strides = array<i32>} : memref<512xf32, #tpu.memory_space<vmem>>, vector<16xf32>,
    tpu.vector_store %arg8[%swap3A_89], %broadcast_in_dim3A_3 {strides = array<i32>} : memref<512xf32, #tpu.memory_space<vmem>>, vector<16xf32>,
    %swap3A_91 = arith.constant 14 : i32
    %swap3A_92 = arith.index_cast %swap3A_91 : i32 to index
    %swap3A_93 = arith.constant 0 : index
    %swap3A_94 = tpu.vector_load %arg9[%swap3A_92, %swap3A_93] {strides = array<i32>} : memref<32x16xf32, #tpu.memory_space<vmem>>, vector<16xf32>,
    tpu.vector_store %arg9[%swap3A_92, %swap3A_93], %broadcast_in_dim3A_3 {strides = array<i32>} : memref<32x16xf32, #tpu.memory_space<vmem>>, vector<16xf32>,
    %swap3A_95 = arith.constant 240 : index
    %swap3A_96 = tpu.vector_load %arg8[%swap3A_95] {strides = array<i32>} : memref<512xf32, #tpu.memory_space<vmem>>, vector<16xf32>,
    tpu.vector_store %arg8[%swap3A_95], %broadcast_in_dim3A_3 {strides = array<i32>} : memref<512xf32, #tpu.memory_space<vmem>>, vector<16xf32>,
    %swap3A_97 = arith.constant 15 : i32
    %swap3A_98 = arith.index_cast %swap3A_97 : i32 to index
    %swap3A_99 = arith.constant 0 : index
    %swap3A_100 = tpu.vector_load %arg9[%swap3A_98, %swap3A_99] {strides = array<i32>} : memref<32x16xf32, #tpu.memory_space<vmem>>, vector<16xf32>,
    tpu.vector_store %arg9[%swap3A_98, %swap3A_99], %broadcast_in_dim3A_3 {strides = array<i32>} : memref<32x16xf32, #tpu.memory_space<vmem>>, vector<16xf32>,
    %swap3A_101 = arith.constant 256 : index
    %swap3A_102 = tpu.vector_load %arg8[%swap3A_101] {strides = array<i32>} : memref<512xf32, #tpu.memory_space<vmem>>, vector<16xf32>,
    tpu.vector_store %arg8[%swap3A_101], %broadcast_in_dim3A_3 {strides = array<i32>} : memref<512xf32, #tpu.memory_space<vmem>>, vector<16xf32>,
    %swap3A_103 = arith.constant 16 : i32
    %swap3A_104 = arith.index_cast %swap3A_103 : i32 to index
    %swap3A_105 = arith.constant 0 : index
    %swap3A_106 = tpu.vector_load %arg9[%swap3A_104, %swap3A_105] {strides = array<i32>} : memref<32x16xf32, #tpu.memory_space<vmem>>, vector<16xf32>,
    tpu.vector_store %arg9[%swap3A_104, %swap3A_105], %broadcast_in_dim3A_3 {strides = array<i32>} : memref<32x16xf32, #tpu.memory_space<vmem>>, vector<16xf32>,
    %swap3A_107 = arith.constant 272 : index
    %swap3A_108 = tpu.vector_load %arg8[%swap3A_107] {strides = array<i32>} : memref<512xf32, #tpu.memory_space<vmem>>, vector<16xf32>,
    tpu.vector_store %arg8[%swap3A_107], %broadcast_in_dim3A_3 {strides = array<i32>} : memref<512xf32, #tpu.memory_space<vmem>>, vector<16xf32>,
    %swap3A_109 = arith.constant 17 : i32
    %swap3A_110 = arith.index_cast %swap3A_109 : i32 to index
    %swap3A_111 = arith.constant 0 : index
    %swap3A_112 = tpu.vector_load %arg9[%swap3A_110, %swap3A_111] {strides = array<i32>} : memref<32x16xf32, #tpu.memory_space<vmem>>, vector<16xf32>,
    tpu.vector_store %arg9[%swap3A_110, %swap3A_111], %broadcast_in_dim3A_3 {strides = array<i32>} : memref<32x16xf32, #tpu.memory_space<vmem>>, vector<16xf32>,
    %swap3A_113 = arith.constant 288 : index
    %swap3A_114 = tpu.vector_load %arg8[%swap3A_113] {strides = array<i32>} : memref<512xf32, #tpu.memory_space<vmem>>, vector<16xf32>,
    tpu.vector_store %arg8[%swap3A_113], %broadcast_in_dim3A_3 {strides = array<i32>} : memref<512xf32, #tpu.memory_space<vmem>>, vector<16xf32>,
    %swap3A_115 = arith.constant 18 : i32
    %swap3A_116 = arith.index_cast %swap3A_115 : i32 to index
    %swap3A_117 = arith.constant 0 : index
    %swap3A_118 = tpu.vector_load %arg9[%swap3A_116, %swap3A_117] {strides = array<i32>} : memref<32x16xf32, #tpu.memory_space<vmem>>, vector<16xf32>,
    tpu.vector_store %arg9[%swap3A_116, %swap3A_117], %broadcast_in_dim3A_3 {strides = array<i32>} : memref<32x16xf32, #tpu.memory_space<vmem>>, vector<16xf32>,
    %swap3A_119 = arith.constant 304 : index
    %swap3A_120 = tpu.vector_load %arg8[%swap3A_119] {strides = array<i32>} : memref<512xf32, #tpu.memory_space<vmem>>, vector<16xf32>,
    tpu.vector_store %arg8[%swap3A_119], %broadcast_in_dim3A_3 {strides = array<i32>} : memref<512xf32, #tpu.memory_space<vmem>>, vector<16xf32>,
    %swap3A_121 = arith.constant 19 : i32
    %swap3A_122 = arith.index_cast %swap3A_121 : i32 to index
    %swap3A_123 = arith.constant 0 : index
    %swap3A_124 = tpu.vector_load %arg9[%swap3A_122, %swap3A_123] {strides = array<i32>} : memref<32x16xf32, #tpu.memory_space<vmem>>, vector<16xf32>,
    tpu.vector_store %arg9[%swap3A_122, %swap3A_123], %broadcast_in_dim3A_3 {strides = array<i32>} : memref<32x16xf32, #tpu.memory_space<vmem>>, vector<16xf32>,
    %swap3A_125 = arith.constant 320 : index
    %swap3A_126 = tpu.vector_load %arg8[%swap3A_125] {strides = array<i32>} : memref<512xf32, #tpu.memory_space<vmem>>, vector<16xf32>,
    tpu.vector_store %arg8[%swap3A_125], %broadcast_in_dim3A_3 {strides = array<i32>} : memref<512xf32, #tpu.memory_space<vmem>>, vector<16xf32>,
    %swap3A_127 = arith.constant 20 : i32
    %swap3A_128 = arith.index_cast %swap3A_127 : i32 to index
    %swap3A_129 = arith.constant 0 : index
    %swap3A_130 = tpu.vector_load %arg9[%swap3A_128, %swap3A_129] {strides = array<i32>} : memref<32x16xf32, #tpu.memory_space<vmem>>, vector<16xf32>,
    tpu.vector_store %arg9[%swap3A_128, %swap3A_129], %broadcast_in_dim3A_3 {strides = array<i32>} : memref<32x16xf32, #tpu.memory_space<vmem>>, vector<16xf32>,
    %swap3A_131 = arith.constant 336 : index
    %swap3A_132 = tpu.vector_load %arg8[%swap3A_131] {strides = array<i32>} : memref<512xf32, #tpu.memory_space<vmem>>, vector<16xf32>,
    tpu.vector_store %arg8[%swap3A_131], %broadcast_in_dim3A_3 {strides = array<i32>} : memref<512xf32, #tpu.memory_space<vmem>>, vector<16xf32>,
    %swap3A_133 = arith.constant 21 : i32
    %swap3A_134 = arith.index_cast %swap3A_133 : i32 to index
    %swap3A_135 = arith.constant 0 : index
    %swap3A_136 = tpu.vector_load %arg9[%swap3A_134, %swap3A_135] {strides = array<i32>} : memref<32x16xf32, #tpu.memory_space<vmem>>, vector<16xf32>,
    tpu.vector_store %arg9[%swap3A_134, %swap3A_135], %broadcast_in_dim3A_3 {strides = array<i32>} : memref<32x16xf32, #tpu.memory_space<vmem>>, vector<16xf32>,
    %swap3A_137 = arith.constant 352 : index
    %swap3A_138 = tpu.vector_load %arg8[%swap3A_137] {strides = array<i32>} : memref<512xf32, #tpu.memory_space<vmem>>, vector<16xf32>,
    tpu.vector_store %arg8[%swap3A_137], %broadcast_in_dim3A_3 {strides = array<i32>} : memref<512xf32, #tpu.memory_space<vmem>>, vector<16xf32>,
    %swap3A_139 = arith.constant 22 : i32
    %swap3A_140 = arith.index_cast %swap3A_139 : i32 to index
    %swap3A_141 = arith.constant 0 : index
    %swap3A_142 = tpu.vector_load %arg9[%swap3A_140, %swap3A_141] {strides = array<i32>} : memref<32x16xf32, #tpu.memory_space<vmem>>, vector<16xf32>,
    tpu.vector_store %arg9[%swap3A_140, %swap3A_141], %broadcast_in_dim3A_3 {strides = array<i32>} : memref<32x16xf32, #tpu.memory_space<vmem>>, vector<16xf32>,
    %swap3A_143 = arith.constant 368 : index
    %swap3A_144 = tpu.vector_load %arg8[%swap3A_143] {strides = array<i32>} : memref<512xf32, #tpu.memory_space<vmem>>, vector<16xf32>,
    tpu.vector_store %arg8[%swap3A_143], %broadcast_in_dim3A_3 {strides = array<i32>} : memref<512xf32, #tpu.memory_space<vmem>>, vector<16xf32>,
    %swap3A_145 = arith.constant 23 : i32
    %swap3A_146 = arith.index_cast %swap3A_145 : i32 to index
    %swap3A_147 = arith.constant 0 : index
    %swap3A_148 = tpu.vector_load %arg9[%swap3A_146, %swap3A_147] {strides = array<i32>} : memref<32x16xf32, #tpu.memory_space<vmem>>, vector<16xf32>,
    tpu.vector_store %arg9[%swap3A_146, %swap3A_147], %broadcast_in_dim3A_3 {strides = array<i32>} : memref<32x16xf32, #tpu.memory_space<vmem>>, vector<16xf32>,
    %swap3A_149 = arith.constant 384 : index
    %swap3A_150 = tpu.vector_load %arg8[%swap3A_149] {strides = array<i32>} : memref<512xf32, #tpu.memory_space<vmem>>, vector<16xf32>,
    tpu.vector_store %arg8[%swap3A_149], %broadcast_in_dim3A_3 {strides = array<i32>} : memref<512xf32, #tpu.memory_space<vmem>>, vector<16xf32>,
    %swap3A_151 = arith.constant 24 : i32
    %swap3A_152 = arith.index_cast %swap3A_151 : i32 to index
    %swap3A_153 = arith.constant 0 : index
    %swap3A_154 = tpu.vector_load %arg9[%swap3A_152, %swap3A_153] {strides = array<i32>} : memref<32x16xf32, #tpu.memory_space<vmem>>, vector<16xf32>,
    tpu.vector_store %arg9[%swap3A_152, %swap3A_153], %broadcast_in_dim3A_3 {strides = array<i32>} : memref<32x16xf32, #tpu.memory_space<vmem>>, vector<16xf32>,
    %swap3A_155 = arith.constant 400 : index
    %swap3A_156 = tpu.vector_load %arg8[%swap3A_155] {strides = array<i32>} : memref<512xf32, #tpu.memory_space<vmem>>, vector<16xf32>,
    tpu.vector_store %arg8[%swap3A_155], %broadcast_in_dim3A_3 {strides = array<i32>} : memref<512xf32, #tpu.memory_space<vmem>>, vector<16xf32>,
    %swap3A_157 = arith.constant 25 : i32
    %swap3A_158 = arith.index_cast %swap3A_157 : i32 to index
    %swap3A_159 = arith.constant 0 : index
    %swap3A_160 = tpu.vector_load %arg9[%swap3A_158, %swap3A_159] {strides = array<i32>} : memref<32x16xf32, #tpu.memory_space<vmem>>, vector<16xf32>,
    tpu.vector_store %arg9[%swap3A_158, %swap3A_159], %broadcast_in_dim3A_3 {strides = array<i32>} : memref<32x16xf32, #tpu.memory_space<vmem>>, vector<16xf32>,
    %swap3A_161 = arith.constant 416 : index
    %swap3A_162 = tpu.vector_load %arg8[%swap3A_161] {strides = array<i32>} : memref<512xf32, #tpu.memory_space<vmem>>, vector<16xf32>,
    tpu.vector_store %arg8[%swap3A_161], %broadcast_in_dim3A_3 {strides = array<i32>} : memref<512xf32, #tpu.memory_space<vmem>>, vector<16xf32>,
    %swap3A_163 = arith.constant 26 : i32
    %swap3A_164 = arith.index_cast %swap3A_163 : i32 to index
    %swap3A_165 = arith.constant 0 : index
    %swap3A_166 = tpu.vector_load %arg9[%swap3A_164, %swap3A_165] {strides = array<i32>} : memref<32x16xf32, #tpu.memory_space<vmem>>, vector<16xf32>,
    tpu.vector_store %arg9[%swap3A_164, %swap3A_165], %broadcast_in_dim3A_3 {strides = array<i32>} : memref<32x16xf32, #tpu.memory_space<vmem>>, vector<16xf32>,
    %swap3A_167 = arith.constant 432 : index
    %swap3A_168 = tpu.vector_load %arg8[%swap3A_167] {strides = array<i32>} : memref<512xf32, #tpu.memory_space<vmem>>, vector<16xf32>,
    tpu.vector_store %arg8[%swap3A_167], %broadcast_in_dim3A_3 {strides = array<i32>} : memref<512xf32, #tpu.memory_space<vmem>>, vector<16xf32>,
    %swap3A_169 = arith.constant 27 : i32
    %swap3A_170 = arith.index_cast %swap3A_169 : i32 to index
    %swap3A_171 = arith.constant 0 : index
    %swap3A_172 = tpu.vector_load %arg9[%swap3A_170, %swap3A_171] {strides = array<i32>} : memref<32x16xf32, #tpu.memory_space<vmem>>, vector<16xf32>,
    tpu.vector_store %arg9[%swap3A_170, %swap3A_171], %broadcast_in_dim3A_3 {strides = array<i32>} : memref<32x16xf32, #tpu.memory_space<vmem>>, vector<16xf32>,
    %swap3A_173 = arith.constant 448 : index
    %swap3A_174 = tpu.vector_load %arg8[%swap3A_173] {strides = array<i32>} : memref<512xf32, #tpu.memory_space<vmem>>, vector<16xf32>,
    tpu.vector_store %arg8[%swap3A_173], %broadcast_in_dim3A_3 {strides = array<i32>} : memref<512xf32, #tpu.memory_space<vmem>>, vector<16xf32>,
    %swap3A_175 = arith.constant 28 : i32
    %swap3A_176 = arith.index_cast %swap3A_175 : i32 to index
    %swap3A_177 = arith.constant 0 : index
    %swap3A_178 = tpu.vector_load %arg9[%swap3A_176, %swap3A_177] {strides = array<i32>} : memref<32x16xf32, #tpu.memory_space<vmem>>, vector<16xf32>,
    tpu.vector_store %arg9[%swap3A_176, %swap3A_177], %broadcast_in_dim3A_3 {strides = array<i32>} : memref<32x16xf32, #tpu.memory_space<vmem>>, vector<16xf32>,
    %swap3A_179 = arith.constant 464 : index
    %swap3A_180 = tpu.vector_load %arg8[%swap3A_179] {strides = array<i32>} : memref<512xf32, #tpu.memory_space<vmem>>, vector<16xf32>,
    tpu.vector_store %arg8[%swap3A_179], %broadcast_in_dim3A_3 {strides = array<i32>} : memref<512xf32, #tpu.memory_space<vmem>>, vector<16xf32>,
    %swap3A_181 = arith.constant 29 : i32
    %swap3A_182 = arith.index_cast %swap3A_181 : i32 to index
    %swap3A_183 = arith.constant 0 : index
    %swap3A_184 = tpu.vector_load %arg9[%swap3A_182, %swap3A_183] {strides = array<i32>} : memref<32x16xf32, #tpu.memory_space<vmem>>, vector<16xf32>,
    tpu.vector_store %arg9[%swap3A_182, %swap3A_183], %broadcast_in_dim3A_3 {strides = array<i32>} : memref<32x16xf32, #tpu.memory_space<vmem>>, vector<16xf32>,
    %swap3A_185 = arith.constant 480 : index
    %swap3A_186 = tpu.vector_load %arg8[%swap3A_185] {strides = array<i32>} : memref<512xf32, #tpu.memory_space<vmem>>, vector<16xf32>,
    tpu.vector_store %arg8[%swap3A_185], %broadcast_in_dim3A_3 {strides = array<i32>} : memref<512xf32, #tpu.memory_space<vmem>>, vector<16xf32>,
    %swap3A_187 = arith.constant 30 : i32
    %swap3A_188 = arith.index_cast %swap3A_187 : i32 to index
    %swap3A_189 = arith.constant 0 : index
    %swap3A_190 = tpu.vector_load %arg9[%swap3A_188, %swap3A_189] {strides = array<i32>} : memref<32x16xf32, #tpu.memory_space<vmem>>, vector<16xf32>,
    tpu.vector_store %arg9[%swap3A_188, %swap3A_189], %broadcast_in_dim3A_3 {strides = array<i32>} : memref<32x16xf32, #tpu.memory_space<vmem>>, vector<16xf32>,
    %swap3A_191 = arith.constant 496 : index
    %swap3A_192 = tpu.vector_load %arg8[%swap3A_191] {strides = array<i32>} : memref<512xf32, #tpu.memory_space<vmem>>, vector<16xf32>,
    tpu.vector_store %arg8[%swap3A_191], %broadcast_in_dim3A_3 {strides = array<i32>} : memref<512xf32, #tpu.memory_space<vmem>>, vector<16xf32>,
    %swap3A_193 = arith.constant 31 : i32
    %swap3A_194 = arith.index_cast %swap3A_193 : i32 to index
    %swap3A_195 = arith.constant 0 : index
    %swap3A_196 = tpu.vector_load %arg9[%swap3A_194, %swap3A_195] {strides = array<i32>} : memref<32x16xf32, #tpu.memory_space<vmem>>, vector<16xf32>,
    tpu.vector_store %arg9[%swap3A_194, %swap3A_195], %broadcast_in_dim3A_3 {strides = array<i32>} : memref<32x16xf32, #tpu.memory_space<vmem>>, vector<16xf32>,
    %swap3A_197 = arith.constant 0 : index
    %swap3A_198 = tpu.vector_load %arg10[%swap3A_197] {strides = array<i32>} : memref<32xi32, #tpu.memory_space<vmem>>, vector<16xi32>,
    tpu.vector_store %arg10[%swap3A_197], %iota3A {strides = array<i32>} : memref<32xi32, #tpu.memory_space<vmem>>, vector<16xi32>,
    %add3A_199 = arith.constant 16 : i32
    %add3A_200 = vector.broadcast %add3A_199 : i32 to vector<16xi32>
    %add3A_201 = arith.addi %iota3A, %add3A_200 : vector<16xi32>
    %swap3A_202 = arith.constant 16 : index
    %swap3A_203 = tpu.vector_load %arg10[%swap3A_202] {strides = array<i32>} : memref<32xi32, #tpu.memory_space<vmem>>, vector<16xi32>,
    tpu.vector_store %arg10[%swap3A_202], %add3A_201 {strides = array<i32>} : memref<32xi32, #tpu.memory_space<vmem>>, vector<16xi32>,
    %eq3A = arith.constant 0 : i32
    %eq3A_204 = arith.cmpi eq, %arg1, %eq3A : i32
    %convert_element_type3A = arith.extui %eq3A_204 : i1 to i32
    %cond3A = arith.constant 0 : i32
    %cond3A_205 = arith.cmpi ne, %convert_element_type3A, %cond3A : i32
    scf.if %cond3A_205 {
      "tpu.region"() ({
        %run_scoped3A = tpu.sem_alloc : memref<!tpu.dma_semaphore, #tpu.memory_space<semaphore_mem>>
        tpu.enqueue_dma source(%arg9 : memref<32x16xf32, #tpu.memory_space<vmem>>) target(%arg11 : memref<32x16xf32, #tpu.memory_space<vmem_shared>>) target_semaphore(%run_scoped3A : memref<!tpu.dma_semaphore, #tpu.memory_space<semaphore_mem>>)
        tpu.wait_dma2 semaphore(%run_scoped3A : memref<!tpu.dma_semaphore, #tpu.memory_space<semaphore_mem>>) src(%arg9 : memref<32x16xf32, #tpu.memory_space<vmem>>) dst(%arg11 : memref<32x16xf32, #tpu.memory_space<vmem_shared>>)
        tpu.yield
      }) : () -> ()
    } else {
    }
    %barrier3A = arith.constant 0 : index
    tpu.barrier barrier_id(%barrier3A)
    "tpu.region"() ({
      %run_scoped3A = tpu.sem_alloc : memref<!tpu.dma_semaphore, #tpu.memory_space<semaphore_mem>>
      %dma_start3A_633 = tpu.memref_slice %arg3[%mul3A_2] : memref<2304xi32, #tpu.memory_space<hbm>> -> memref<72xi32, #tpu.memory_space<hbm>>
      %dma_start3A_634 = tpu.memref_slice %arg3[%mul3A_2] : memref<2304xi32, #tpu.memory_space<hbm>> -> memref<72xi32, #tpu.memory_space<hbm>>
      tpu.enqueue_dma source(%dma_start3A_634 : memref<72xi32, #tpu.memory_space<hbm>>) target(%arg6 : memref<72xi32, #tpu.memory_space<vmem>>) target_semaphore(%run_scoped3A : memref<!tpu.dma_semaphore, #tpu.memory_space<semaphore_mem>>)
      %dma_wait3A_635 = tpu.memref_slice %arg3[%mul3A_2] : memref<2304xi32, #tpu.memory_space<hbm>> -> memref<72xi32, #tpu.memory_space<hbm>>
      %dma_wait3A_636 = tpu.memref_slice %arg3[%mul3A_2] : memref<2304xi32, #tpu.memory_space<hbm>> -> memref<72xi32, #tpu.memory_space<hbm>>
      tpu.wait_dma2 semaphore(%run_scoped3A : memref<!tpu.dma_semaphore, #tpu.memory_space<semaphore_mem>>) src(%dma_wait3A_636 : memref<72xi32, #tpu.memory_space<hbm>>) dst(%arg6 : memref<72xi32, #tpu.memory_space<vmem>>)
      tpu.yield
    }) : () -> ()
    %dma_start3A = arith.constant 0 : i32
    %dma_start3A_206 = arith.constant 0 : i32
    %dma_start3A_207 = tpu.memref_slice %arg2[%dma_start3A, %dma_start3A_206] : memref<512x64xf32, #tpu.memory_space<hbm>> -> memref<512x64xf32, #tpu.memory_space<hbm>>
    tpu.enqueue_indirect_dma source(%dma_start3A_207 : memref<512x64xf32, #tpu.memory_space<hbm>>) target(%arg7 : memref<72x64xf32, #tpu.memory_space<vmem>>) offsets(%arg6 : memref<72xi32, #tpu.memory_space<vmem>>) semaphore(%arg12 : memref<!tpu.dma_semaphore, #tpu.memory_space<semaphore_mem>>)
    %dma_wait3A = arith.constant 0 : i32
    %dma_wait3A_208 = arith.constant 0 : i32
    %dma_wait3A_209 = tpu.memref_slice %arg2[%dma_wait3A, %dma_wait3A_208] : memref<512x64xf32, #tpu.memory_space<hbm>> -> memref<512x64xf32, #tpu.memory_space<hbm>>
    tpu.wait_indirect_dma semaphore(%arg12 : memref<!tpu.dma_semaphore, #tpu.memory_space<semaphore_mem>>) src(%dma_wait3A_209 : memref<512x64xf32, #tpu.memory_space<hbm>>) dst(%arg7 : memref<72x64xf32, #tpu.memory_space<vmem>>)
    "tpu.region"() ({
      %run_scoped3A = tpu.sem_alloc : memref<!tpu.dma_semaphore, #tpu.memory_space<semaphore_mem>>
      %dma_start3A_633 = arith.constant 0 : i32
      %dma_start3A_634 = tpu.memref_slice %arg4[%mul3A_2, %dma_start3A_633] : memref<2304x64xf32, #tpu.memory_space<hbm>> -> memref<72x64xf32, #tpu.memory_space<hbm>>
      %dma_start3A_635 = arith.constant 0 : i32
      %dma_start3A_636 = tpu.memref_slice %arg4[%mul3A_2, %dma_start3A_635] : memref<2304x64xf32, #tpu.memory_space<hbm>> -> memref<72x64xf32, #tpu.memory_space<hbm>>
      tpu.enqueue_dma source(%arg7 : memref<72x64xf32, #tpu.memory_space<vmem>>) target(%dma_start3A_636 : memref<72x64xf32, #tpu.memory_space<hbm>>) target_semaphore(%run_scoped3A : memref<!tpu.dma_semaphore, #tpu.memory_space<semaphore_mem>>)
      %dma_wait3A_637 = arith.constant 0 : i32
      %dma_wait3A_638 = tpu.memref_slice %arg4[%mul3A_2, %dma_wait3A_637] : memref<2304x64xf32, #tpu.memory_space<hbm>> -> memref<72x64xf32, #tpu.memory_space<hbm>>
      %dma_wait3A_639 = arith.constant 0 : i32
      %dma_wait3A_640 = tpu.memref_slice %arg4[%mul3A_2, %dma_wait3A_639] : memref<2304x64xf32, #tpu.memory_space<hbm>> -> memref<72x64xf32, #tpu.memory_space<hbm>>
      tpu.wait_dma2 semaphore(%run_scoped3A : memref<!tpu.dma_semaphore, #tpu.memory_space<semaphore_mem>>) src(%arg7 : memref<72x64xf32, #tpu.memory_space<vmem>>) dst(%dma_wait3A_640 : memref<72x64xf32, #tpu.memory_space<hbm>>)
      tpu.yield
    }) : () -> ()
    %get3A = arith.constant 0 : index
    %get3A_210 = tpu.vector_load %arg6[%get3A] {strides = array<i32>} : memref<72xi32, #tpu.memory_space<vmem>>, vector<16xi32>,
    %eq3A_211 = arith.constant 0 : i32
    %eq3A_212 = vector.broadcast %eq3A_211 : i32 to vector<16xi32>
    %eq3A_213 = arith.cmpi eq, %iota3A, %eq3A_212 : vector<16xi32>
    tpu.vector_store_idx %arg8[%get3A_210], %broadcast_in_dim3A_5 masked %eq3A_213 {add = true} : memref<512xf32, #tpu.memory_space<vmem>>[vector<16xi32>], vector<16xf32>, vector<16xi1>
    %eq3A_214 = arith.constant 1 : i32
    %eq3A_215 = vector.broadcast %eq3A_214 : i32 to vector<16xi32>
    %eq3A_216 = arith.cmpi eq, %iota3A, %eq3A_215 : vector<16xi32>
    tpu.vector_store_idx %arg8[%get3A_210], %broadcast_in_dim3A_5 masked %eq3A_216 {add = true} : memref<512xf32, #tpu.memory_space<vmem>>[vector<16xi32>], vector<16xf32>, vector<16xi1>
    %eq3A_217 = arith.constant 2 : i32
    %eq3A_218 = vector.broadcast %eq3A_217 : i32 to vector<16xi32>
    %eq3A_219 = arith.cmpi eq, %iota3A, %eq3A_218 : vector<16xi32>
    tpu.vector_store_idx %arg8[%get3A_210], %broadcast_in_dim3A_5 masked %eq3A_219 {add = true} : memref<512xf32, #tpu.memory_space<vmem>>[vector<16xi32>], vector<16xf32>, vector<16xi1>
    %eq3A_220 = arith.constant 3 : i32
    %eq3A_221 = vector.broadcast %eq3A_220 : i32 to vector<16xi32>
    %eq3A_222 = arith.cmpi eq, %iota3A, %eq3A_221 : vector<16xi32>
    tpu.vector_store_idx %arg8[%get3A_210], %broadcast_in_dim3A_5 masked %eq3A_222 {add = true} : memref<512xf32, #tpu.memory_space<vmem>>[vector<16xi32>], vector<16xf32>, vector<16xi1>
    %eq3A_223 = arith.constant 4 : i32
    %eq3A_224 = vector.broadcast %eq3A_223 : i32 to vector<16xi32>
    %eq3A_225 = arith.cmpi eq, %iota3A, %eq3A_224 : vector<16xi32>
    tpu.vector_store_idx %arg8[%get3A_210], %broadcast_in_dim3A_5 masked %eq3A_225 {add = true} : memref<512xf32, #tpu.memory_space<vmem>>[vector<16xi32>], vector<16xf32>, vector<16xi1>
    %eq3A_226 = arith.constant 5 : i32
    %eq3A_227 = vector.broadcast %eq3A_226 : i32 to vector<16xi32>
    %eq3A_228 = arith.cmpi eq, %iota3A, %eq3A_227 : vector<16xi32>
    tpu.vector_store_idx %arg8[%get3A_210], %broadcast_in_dim3A_5 masked %eq3A_228 {add = true} : memref<512xf32, #tpu.memory_space<vmem>>[vector<16xi32>], vector<16xf32>, vector<16xi1>
    %eq3A_229 = arith.constant 6 : i32
    %eq3A_230 = vector.broadcast %eq3A_229 : i32 to vector<16xi32>
    %eq3A_231 = arith.cmpi eq, %iota3A, %eq3A_230 : vector<16xi32>
    tpu.vector_store_idx %arg8[%get3A_210], %broadcast_in_dim3A_5 masked %eq3A_231 {add = true} : memref<512xf32, #tpu.memory_space<vmem>>[vector<16xi32>], vector<16xf32>, vector<16xi1>
    %eq3A_232 = arith.constant 7 : i32
    %eq3A_233 = vector.broadcast %eq3A_232 : i32 to vector<16xi32>
    %eq3A_234 = arith.cmpi eq, %iota3A, %eq3A_233 : vector<16xi32>
    tpu.vector_store_idx %arg8[%get3A_210], %broadcast_in_dim3A_5 masked %eq3A_234 {add = true} : memref<512xf32, #tpu.memory_space<vmem>>[vector<16xi32>], vector<16xf32>, vector<16xi1>
    %eq3A_235 = arith.constant 8 : i32
    %eq3A_236 = vector.broadcast %eq3A_235 : i32 to vector<16xi32>
    %eq3A_237 = arith.cmpi eq, %iota3A, %eq3A_236 : vector<16xi32>
    tpu.vector_store_idx %arg8[%get3A_210], %broadcast_in_dim3A_5 masked %eq3A_237 {add = true} : memref<512xf32, #tpu.memory_space<vmem>>[vector<16xi32>], vector<16xf32>, vector<16xi1>
    %eq3A_238 = arith.constant 9 : i32
    %eq3A_239 = vector.broadcast %eq3A_238 : i32 to vector<16xi32>
    %eq3A_240 = arith.cmpi eq, %iota3A, %eq3A_239 : vector<16xi32>
    tpu.vector_store_idx %arg8[%get3A_210], %broadcast_in_dim3A_5 masked %eq3A_240 {add = true} : memref<512xf32, #tpu.memory_space<vmem>>[vector<16xi32>], vector<16xf32>, vector<16xi1>
    %eq3A_241 = arith.constant 10 : i32
    %eq3A_242 = vector.broadcast %eq3A_241 : i32 to vector<16xi32>
    %eq3A_243 = arith.cmpi eq, %iota3A, %eq3A_242 : vector<16xi32>
    tpu.vector_store_idx %arg8[%get3A_210], %broadcast_in_dim3A_5 masked %eq3A_243 {add = true} : memref<512xf32, #tpu.memory_space<vmem>>[vector<16xi32>], vector<16xf32>, vector<16xi1>
    %eq3A_244 = arith.constant 11 : i32
    %eq3A_245 = vector.broadcast %eq3A_244 : i32 to vector<16xi32>
    %eq3A_246 = arith.cmpi eq, %iota3A, %eq3A_245 : vector<16xi32>
    tpu.vector_store_idx %arg8[%get3A_210], %broadcast_in_dim3A_5 masked %eq3A_246 {add = true} : memref<512xf32, #tpu.memory_space<vmem>>[vector<16xi32>], vector<16xf32>, vector<16xi1>
    %eq3A_247 = arith.constant 12 : i32
    %eq3A_248 = vector.broadcast %eq3A_247 : i32 to vector<16xi32>
    %eq3A_249 = arith.cmpi eq, %iota3A, %eq3A_248 : vector<16xi32>
    tpu.vector_store_idx %arg8[%get3A_210], %broadcast_in_dim3A_5 masked %eq3A_249 {add = true} : memref<512xf32, #tpu.memory_space<vmem>>[vector<16xi32>], vector<16xf32>, vector<16xi1>
    %eq3A_250 = arith.constant 13 : i32
    %eq3A_251 = vector.broadcast %eq3A_250 : i32 to vector<16xi32>
    %eq3A_252 = arith.cmpi eq, %iota3A, %eq3A_251 : vector<16xi32>
    tpu.vector_store_idx %arg8[%get3A_210], %broadcast_in_dim3A_5 masked %eq3A_252 {add = true} : memref<512xf32, #tpu.memory_space<vmem>>[vector<16xi32>], vector<16xf32>, vector<16xi1>
    %eq3A_253 = arith.constant 14 : i32
    %eq3A_254 = vector.broadcast %eq3A_253 : i32 to vector<16xi32>
    %eq3A_255 = arith.cmpi eq, %iota3A, %eq3A_254 : vector<16xi32>
    tpu.vector_store_idx %arg8[%get3A_210], %broadcast_in_dim3A_5 masked %eq3A_255 {add = true} : memref<512xf32, #tpu.memory_space<vmem>>[vector<16xi32>], vector<16xf32>, vector<16xi1>
    %eq3A_256 = arith.constant 15 : i32
    %eq3A_257 = vector.broadcast %eq3A_256 : i32 to vector<16xi32>
    %eq3A_258 = arith.cmpi eq, %iota3A, %eq3A_257 : vector<16xi32>
    tpu.vector_store_idx %arg8[%get3A_210], %broadcast_in_dim3A_5 masked %eq3A_258 {add = true} : memref<512xf32, #tpu.memory_space<vmem>>[vector<16xi32>], vector<16xf32>, vector<16xi1>
    %get3A_259 = arith.constant 16 : index
    %get3A_260 = tpu.vector_load %arg6[%get3A_259] {strides = array<i32>} : memref<72xi32, #tpu.memory_space<vmem>>, vector<16xi32>,
    %eq3A_261 = arith.constant 0 : i32
    %eq3A_262 = vector.broadcast %eq3A_261 : i32 to vector<16xi32>
    %eq3A_263 = arith.cmpi eq, %iota3A, %eq3A_262 : vector<16xi32>
    tpu.vector_store_idx %arg8[%get3A_260], %broadcast_in_dim3A_5 masked %eq3A_263 {add = true} : memref<512xf32, #tpu.memory_space<vmem>>[vector<16xi32>], vector<16xf32>, vector<16xi1>
    %eq3A_264 = arith.constant 1 : i32
    %eq3A_265 = vector.broadcast %eq3A_264 : i32 to vector<16xi32>
    %eq3A_266 = arith.cmpi eq, %iota3A, %eq3A_265 : vector<16xi32>
    tpu.vector_store_idx %arg8[%get3A_260], %broadcast_in_dim3A_5 masked %eq3A_266 {add = true} : memref<512xf32, #tpu.memory_space<vmem>>[vector<16xi32>], vector<16xf32>, vector<16xi1>
    %eq3A_267 = arith.constant 2 : i32
    %eq3A_268 = vector.broadcast %eq3A_267 : i32 to vector<16xi32>
    %eq3A_269 = arith.cmpi eq, %iota3A, %eq3A_268 : vector<16xi32>
    tpu.vector_store_idx %arg8[%get3A_260], %broadcast_in_dim3A_5 masked %eq3A_269 {add = true} : memref<512xf32, #tpu.memory_space<vmem>>[vector<16xi32>], vector<16xf32>, vector<16xi1>
    %eq3A_270 = arith.constant 3 : i32
    %eq3A_271 = vector.broadcast %eq3A_270 : i32 to vector<16xi32>
    %eq3A_272 = arith.cmpi eq, %iota3A, %eq3A_271 : vector<16xi32>
    tpu.vector_store_idx %arg8[%get3A_260], %broadcast_in_dim3A_5 masked %eq3A_272 {add = true} : memref<512xf32, #tpu.memory_space<vmem>>[vector<16xi32>], vector<16xf32>, vector<16xi1>
    %eq3A_273 = arith.constant 4 : i32
    %eq3A_274 = vector.broadcast %eq3A_273 : i32 to vector<16xi32>
    %eq3A_275 = arith.cmpi eq, %iota3A, %eq3A_274 : vector<16xi32>
    tpu.vector_store_idx %arg8[%get3A_260], %broadcast_in_dim3A_5 masked %eq3A_275 {add = true} : memref<512xf32, #tpu.memory_space<vmem>>[vector<16xi32>], vector<16xf32>, vector<16xi1>
    %eq3A_276 = arith.constant 5 : i32
    %eq3A_277 = vector.broadcast %eq3A_276 : i32 to vector<16xi32>
    %eq3A_278 = arith.cmpi eq, %iota3A, %eq3A_277 : vector<16xi32>
    tpu.vector_store_idx %arg8[%get3A_260], %broadcast_in_dim3A_5 masked %eq3A_278 {add = true} : memref<512xf32, #tpu.memory_space<vmem>>[vector<16xi32>], vector<16xf32>, vector<16xi1>
    %eq3A_279 = arith.constant 6 : i32
    %eq3A_280 = vector.broadcast %eq3A_279 : i32 to vector<16xi32>
    %eq3A_281 = arith.cmpi eq, %iota3A, %eq3A_280 : vector<16xi32>
    tpu.vector_store_idx %arg8[%get3A_260], %broadcast_in_dim3A_5 masked %eq3A_281 {add = true} : memref<512xf32, #tpu.memory_space<vmem>>[vector<16xi32>], vector<16xf32>, vector<16xi1>
    %eq3A_282 = arith.constant 7 : i32
    %eq3A_283 = vector.broadcast %eq3A_282 : i32 to vector<16xi32>
    %eq3A_284 = arith.cmpi eq, %iota3A, %eq3A_283 : vector<16xi32>
    tpu.vector_store_idx %arg8[%get3A_260], %broadcast_in_dim3A_5 masked %eq3A_284 {add = true} : memref<512xf32, #tpu.memory_space<vmem>>[vector<16xi32>], vector<16xf32>, vector<16xi1>
    %eq3A_285 = arith.constant 8 : i32
    %eq3A_286 = vector.broadcast %eq3A_285 : i32 to vector<16xi32>
    %eq3A_287 = arith.cmpi eq, %iota3A, %eq3A_286 : vector<16xi32>
    tpu.vector_store_idx %arg8[%get3A_260], %broadcast_in_dim3A_5 masked %eq3A_287 {add = true} : memref<512xf32, #tpu.memory_space<vmem>>[vector<16xi32>], vector<16xf32>, vector<16xi1>
    %eq3A_288 = arith.constant 9 : i32
    %eq3A_289 = vector.broadcast %eq3A_288 : i32 to vector<16xi32>
    %eq3A_290 = arith.cmpi eq, %iota3A, %eq3A_289 : vector<16xi32>
    tpu.vector_store_idx %arg8[%get3A_260], %broadcast_in_dim3A_5 masked %eq3A_290 {add = true} : memref<512xf32, #tpu.memory_space<vmem>>[vector<16xi32>], vector<16xf32>, vector<16xi1>
    %eq3A_291 = arith.constant 10 : i32
    %eq3A_292 = vector.broadcast %eq3A_291 : i32 to vector<16xi32>
    %eq3A_293 = arith.cmpi eq, %iota3A, %eq3A_292 : vector<16xi32>
    tpu.vector_store_idx %arg8[%get3A_260], %broadcast_in_dim3A_5 masked %eq3A_293 {add = true} : memref<512xf32, #tpu.memory_space<vmem>>[vector<16xi32>], vector<16xf32>, vector<16xi1>
    %eq3A_294 = arith.constant 11 : i32
    %eq3A_295 = vector.broadcast %eq3A_294 : i32 to vector<16xi32>
    %eq3A_296 = arith.cmpi eq, %iota3A, %eq3A_295 : vector<16xi32>
    tpu.vector_store_idx %arg8[%get3A_260], %broadcast_in_dim3A_5 masked %eq3A_296 {add = true} : memref<512xf32, #tpu.memory_space<vmem>>[vector<16xi32>], vector<16xf32>, vector<16xi1>
    %eq3A_297 = arith.constant 12 : i32
    %eq3A_298 = vector.broadcast %eq3A_297 : i32 to vector<16xi32>
    %eq3A_299 = arith.cmpi eq, %iota3A, %eq3A_298 : vector<16xi32>
    tpu.vector_store_idx %arg8[%get3A_260], %broadcast_in_dim3A_5 masked %eq3A_299 {add = true} : memref<512xf32, #tpu.memory_space<vmem>>[vector<16xi32>], vector<16xf32>, vector<16xi1>
    %eq3A_300 = arith.constant 13 : i32
    %eq3A_301 = vector.broadcast %eq3A_300 : i32 to vector<16xi32>
    %eq3A_302 = arith.cmpi eq, %iota3A, %eq3A_301 : vector<16xi32>
    tpu.vector_store_idx %arg8[%get3A_260], %broadcast_in_dim3A_5 masked %eq3A_302 {add = true} : memref<512xf32, #tpu.memory_space<vmem>>[vector<16xi32>], vector<16xf32>, vector<16xi1>
    %eq3A_303 = arith.constant 14 : i32
    %eq3A_304 = vector.broadcast %eq3A_303 : i32 to vector<16xi32>
    %eq3A_305 = arith.cmpi eq, %iota3A, %eq3A_304 : vector<16xi32>
    tpu.vector_store_idx %arg8[%get3A_260], %broadcast_in_dim3A_5 masked %eq3A_305 {add = true} : memref<512xf32, #tpu.memory_space<vmem>>[vector<16xi32>], vector<16xf32>, vector<16xi1>
    %eq3A_306 = arith.constant 15 : i32
    %eq3A_307 = vector.broadcast %eq3A_306 : i32 to vector<16xi32>
    %eq3A_308 = arith.cmpi eq, %iota3A, %eq3A_307 : vector<16xi32>
    tpu.vector_store_idx %arg8[%get3A_260], %broadcast_in_dim3A_5 masked %eq3A_308 {add = true} : memref<512xf32, #tpu.memory_space<vmem>>[vector<16xi32>], vector<16xf32>, vector<16xi1>
    %get3A_309 = arith.constant 32 : index
    %get3A_310 = tpu.vector_load %arg6[%get3A_309] {strides = array<i32>} : memref<72xi32, #tpu.memory_space<vmem>>, vector<16xi32>,
    %eq3A_311 = arith.constant 0 : i32
    %eq3A_312 = vector.broadcast %eq3A_311 : i32 to vector<16xi32>
    %eq3A_313 = arith.cmpi eq, %iota3A, %eq3A_312 : vector<16xi32>
    tpu.vector_store_idx %arg8[%get3A_310], %broadcast_in_dim3A_5 masked %eq3A_313 {add = true} : memref<512xf32, #tpu.memory_space<vmem>>[vector<16xi32>], vector<16xf32>, vector<16xi1>
    %eq3A_314 = arith.constant 1 : i32
    %eq3A_315 = vector.broadcast %eq3A_314 : i32 to vector<16xi32>
    %eq3A_316 = arith.cmpi eq, %iota3A, %eq3A_315 : vector<16xi32>
    tpu.vector_store_idx %arg8[%get3A_310], %broadcast_in_dim3A_5 masked %eq3A_316 {add = true} : memref<512xf32, #tpu.memory_space<vmem>>[vector<16xi32>], vector<16xf32>, vector<16xi1>
    %eq3A_317 = arith.constant 2 : i32
    %eq3A_318 = vector.broadcast %eq3A_317 : i32 to vector<16xi32>
    %eq3A_319 = arith.cmpi eq, %iota3A, %eq3A_318 : vector<16xi32>
    tpu.vector_store_idx %arg8[%get3A_310], %broadcast_in_dim3A_5 masked %eq3A_319 {add = true} : memref<512xf32, #tpu.memory_space<vmem>>[vector<16xi32>], vector<16xf32>, vector<16xi1>
    %eq3A_320 = arith.constant 3 : i32
    %eq3A_321 = vector.broadcast %eq3A_320 : i32 to vector<16xi32>
    %eq3A_322 = arith.cmpi eq, %iota3A, %eq3A_321 : vector<16xi32>
    tpu.vector_store_idx %arg8[%get3A_310], %broadcast_in_dim3A_5 masked %eq3A_322 {add = true} : memref<512xf32, #tpu.memory_space<vmem>>[vector<16xi32>], vector<16xf32>, vector<16xi1>
    %eq3A_323 = arith.constant 4 : i32
    %eq3A_324 = vector.broadcast %eq3A_323 : i32 to vector<16xi32>
    %eq3A_325 = arith.cmpi eq, %iota3A, %eq3A_324 : vector<16xi32>
    tpu.vector_store_idx %arg8[%get3A_310], %broadcast_in_dim3A_5 masked %eq3A_325 {add = true} : memref<512xf32, #tpu.memory_space<vmem>>[vector<16xi32>], vector<16xf32>, vector<16xi1>
    %eq3A_326 = arith.constant 5 : i32
    %eq3A_327 = vector.broadcast %eq3A_326 : i32 to vector<16xi32>
    %eq3A_328 = arith.cmpi eq, %iota3A, %eq3A_327 : vector<16xi32>
    tpu.vector_store_idx %arg8[%get3A_310], %broadcast_in_dim3A_5 masked %eq3A_328 {add = true} : memref<512xf32, #tpu.memory_space<vmem>>[vector<16xi32>], vector<16xf32>, vector<16xi1>
    %eq3A_329 = arith.constant 6 : i32
    %eq3A_330 = vector.broadcast %eq3A_329 : i32 to vector<16xi32>
    %eq3A_331 = arith.cmpi eq, %iota3A, %eq3A_330 : vector<16xi32>
    tpu.vector_store_idx %arg8[%get3A_310], %broadcast_in_dim3A_5 masked %eq3A_331 {add = true} : memref<512xf32, #tpu.memory_space<vmem>>[vector<16xi32>], vector<16xf32>, vector<16xi1>
    %eq3A_332 = arith.constant 7 : i32
    %eq3A_333 = vector.broadcast %eq3A_332 : i32 to vector<16xi32>
    %eq3A_334 = arith.cmpi eq, %iota3A, %eq3A_333 : vector<16xi32>
    tpu.vector_store_idx %arg8[%get3A_310], %broadcast_in_dim3A_5 masked %eq3A_334 {add = true} : memref<512xf32, #tpu.memory_space<vmem>>[vector<16xi32>], vector<16xf32>, vector<16xi1>
    %eq3A_335 = arith.constant 8 : i32
    %eq3A_336 = vector.broadcast %eq3A_335 : i32 to vector<16xi32>
    %eq3A_337 = arith.cmpi eq, %iota3A, %eq3A_336 : vector<16xi32>
    tpu.vector_store_idx %arg8[%get3A_310], %broadcast_in_dim3A_5 masked %eq3A_337 {add = true} : memref<512xf32, #tpu.memory_space<vmem>>[vector<16xi32>], vector<16xf32>, vector<16xi1>
    %eq3A_338 = arith.constant 9 : i32
    %eq3A_339 = vector.broadcast %eq3A_338 : i32 to vector<16xi32>
    %eq3A_340 = arith.cmpi eq, %iota3A, %eq3A_339 : vector<16xi32>
    tpu.vector_store_idx %arg8[%get3A_310], %broadcast_in_dim3A_5 masked %eq3A_340 {add = true} : memref<512xf32, #tpu.memory_space<vmem>>[vector<16xi32>], vector<16xf32>, vector<16xi1>
    %eq3A_341 = arith.constant 10 : i32
    %eq3A_342 = vector.broadcast %eq3A_341 : i32 to vector<16xi32>
    %eq3A_343 = arith.cmpi eq, %iota3A, %eq3A_342 : vector<16xi32>
    tpu.vector_store_idx %arg8[%get3A_310], %broadcast_in_dim3A_5 masked %eq3A_343 {add = true} : memref<512xf32, #tpu.memory_space<vmem>>[vector<16xi32>], vector<16xf32>, vector<16xi1>
    %eq3A_344 = arith.constant 11 : i32
    %eq3A_345 = vector.broadcast %eq3A_344 : i32 to vector<16xi32>
    %eq3A_346 = arith.cmpi eq, %iota3A, %eq3A_345 : vector<16xi32>
    tpu.vector_store_idx %arg8[%get3A_310], %broadcast_in_dim3A_5 masked %eq3A_346 {add = true} : memref<512xf32, #tpu.memory_space<vmem>>[vector<16xi32>], vector<16xf32>, vector<16xi1>
    %eq3A_347 = arith.constant 12 : i32
    %eq3A_348 = vector.broadcast %eq3A_347 : i32 to vector<16xi32>
    %eq3A_349 = arith.cmpi eq, %iota3A, %eq3A_348 : vector<16xi32>
    tpu.vector_store_idx %arg8[%get3A_310], %broadcast_in_dim3A_5 masked %eq3A_349 {add = true} : memref<512xf32, #tpu.memory_space<vmem>>[vector<16xi32>], vector<16xf32>, vector<16xi1>
    %eq3A_350 = arith.constant 13 : i32
    %eq3A_351 = vector.broadcast %eq3A_350 : i32 to vector<16xi32>
    %eq3A_352 = arith.cmpi eq, %iota3A, %eq3A_351 : vector<16xi32>
    tpu.vector_store_idx %arg8[%get3A_310], %broadcast_in_dim3A_5 masked %eq3A_352 {add = true} : memref<512xf32, #tpu.memory_space<vmem>>[vector<16xi32>], vector<16xf32>, vector<16xi1>
    %eq3A_353 = arith.constant 14 : i32
    %eq3A_354 = vector.broadcast %eq3A_353 : i32 to vector<16xi32>
    %eq3A_355 = arith.cmpi eq, %iota3A, %eq3A_354 : vector<16xi32>
    tpu.vector_store_idx %arg8[%get3A_310], %broadcast_in_dim3A_5 masked %eq3A_355 {add = true} : memref<512xf32, #tpu.memory_space<vmem>>[vector<16xi32>], vector<16xf32>, vector<16xi1>
    %eq3A_356 = arith.constant 15 : i32
    %eq3A_357 = vector.broadcast %eq3A_356 : i32 to vector<16xi32>
    %eq3A_358 = arith.cmpi eq, %iota3A, %eq3A_357 : vector<16xi32>
    tpu.vector_store_idx %arg8[%get3A_310], %broadcast_in_dim3A_5 masked %eq3A_358 {add = true} : memref<512xf32, #tpu.memory_space<vmem>>[vector<16xi32>], vector<16xf32>, vector<16xi1>
    %get3A_359 = arith.constant 48 : index
    %get3A_360 = tpu.vector_load %arg6[%get3A_359] {strides = array<i32>} : memref<72xi32, #tpu.memory_space<vmem>>, vector<16xi32>,
    %eq3A_361 = arith.constant 0 : i32
    %eq3A_362 = vector.broadcast %eq3A_361 : i32 to vector<16xi32>
    %eq3A_363 = arith.cmpi eq, %iota3A, %eq3A_362 : vector<16xi32>
    tpu.vector_store_idx %arg8[%get3A_360], %broadcast_in_dim3A_5 masked %eq3A_363 {add = true} : memref<512xf32, #tpu.memory_space<vmem>>[vector<16xi32>], vector<16xf32>, vector<16xi1>
    %eq3A_364 = arith.constant 1 : i32
    %eq3A_365 = vector.broadcast %eq3A_364 : i32 to vector<16xi32>
    %eq3A_366 = arith.cmpi eq, %iota3A, %eq3A_365 : vector<16xi32>
    tpu.vector_store_idx %arg8[%get3A_360], %broadcast_in_dim3A_5 masked %eq3A_366 {add = true} : memref<512xf32, #tpu.memory_space<vmem>>[vector<16xi32>], vector<16xf32>, vector<16xi1>
    %eq3A_367 = arith.constant 2 : i32
    %eq3A_368 = vector.broadcast %eq3A_367 : i32 to vector<16xi32>
    %eq3A_369 = arith.cmpi eq, %iota3A, %eq3A_368 : vector<16xi32>
    tpu.vector_store_idx %arg8[%get3A_360], %broadcast_in_dim3A_5 masked %eq3A_369 {add = true} : memref<512xf32, #tpu.memory_space<vmem>>[vector<16xi32>], vector<16xf32>, vector<16xi1>
    %eq3A_370 = arith.constant 3 : i32
    %eq3A_371 = vector.broadcast %eq3A_370 : i32 to vector<16xi32>
    %eq3A_372 = arith.cmpi eq, %iota3A, %eq3A_371 : vector<16xi32>
    tpu.vector_store_idx %arg8[%get3A_360], %broadcast_in_dim3A_5 masked %eq3A_372 {add = true} : memref<512xf32, #tpu.memory_space<vmem>>[vector<16xi32>], vector<16xf32>, vector<16xi1>
    %eq3A_373 = arith.constant 4 : i32
    %eq3A_374 = vector.broadcast %eq3A_373 : i32 to vector<16xi32>
    %eq3A_375 = arith.cmpi eq, %iota3A, %eq3A_374 : vector<16xi32>
    tpu.vector_store_idx %arg8[%get3A_360], %broadcast_in_dim3A_5 masked %eq3A_375 {add = true} : memref<512xf32, #tpu.memory_space<vmem>>[vector<16xi32>], vector<16xf32>, vector<16xi1>
    %eq3A_376 = arith.constant 5 : i32
    %eq3A_377 = vector.broadcast %eq3A_376 : i32 to vector<16xi32>
    %eq3A_378 = arith.cmpi eq, %iota3A, %eq3A_377 : vector<16xi32>
    tpu.vector_store_idx %arg8[%get3A_360], %broadcast_in_dim3A_5 masked %eq3A_378 {add = true} : memref<512xf32, #tpu.memory_space<vmem>>[vector<16xi32>], vector<16xf32>, vector<16xi1>
    %eq3A_379 = arith.constant 6 : i32
    %eq3A_380 = vector.broadcast %eq3A_379 : i32 to vector<16xi32>
    %eq3A_381 = arith.cmpi eq, %iota3A, %eq3A_380 : vector<16xi32>
    tpu.vector_store_idx %arg8[%get3A_360], %broadcast_in_dim3A_5 masked %eq3A_381 {add = true} : memref<512xf32, #tpu.memory_space<vmem>>[vector<16xi32>], vector<16xf32>, vector<16xi1>
    %eq3A_382 = arith.constant 7 : i32
    %eq3A_383 = vector.broadcast %eq3A_382 : i32 to vector<16xi32>
    %eq3A_384 = arith.cmpi eq, %iota3A, %eq3A_383 : vector<16xi32>
    tpu.vector_store_idx %arg8[%get3A_360], %broadcast_in_dim3A_5 masked %eq3A_384 {add = true} : memref<512xf32, #tpu.memory_space<vmem>>[vector<16xi32>], vector<16xf32>, vector<16xi1>
    %eq3A_385 = arith.constant 8 : i32
    %eq3A_386 = vector.broadcast %eq3A_385 : i32 to vector<16xi32>
    %eq3A_387 = arith.cmpi eq, %iota3A, %eq3A_386 : vector<16xi32>
    tpu.vector_store_idx %arg8[%get3A_360], %broadcast_in_dim3A_5 masked %eq3A_387 {add = true} : memref<512xf32, #tpu.memory_space<vmem>>[vector<16xi32>], vector<16xf32>, vector<16xi1>
    %eq3A_388 = arith.constant 9 : i32
    %eq3A_389 = vector.broadcast %eq3A_388 : i32 to vector<16xi32>
    %eq3A_390 = arith.cmpi eq, %iota3A, %eq3A_389 : vector<16xi32>
    tpu.vector_store_idx %arg8[%get3A_360], %broadcast_in_dim3A_5 masked %eq3A_390 {add = true} : memref<512xf32, #tpu.memory_space<vmem>>[vector<16xi32>], vector<16xf32>, vector<16xi1>
    %eq3A_391 = arith.constant 10 : i32
    %eq3A_392 = vector.broadcast %eq3A_391 : i32 to vector<16xi32>
    %eq3A_393 = arith.cmpi eq, %iota3A, %eq3A_392 : vector<16xi32>
    tpu.vector_store_idx %arg8[%get3A_360], %broadcast_in_dim3A_5 masked %eq3A_393 {add = true} : memref<512xf32, #tpu.memory_space<vmem>>[vector<16xi32>], vector<16xf32>, vector<16xi1>
    %eq3A_394 = arith.constant 11 : i32
    %eq3A_395 = vector.broadcast %eq3A_394 : i32 to vector<16xi32>
    %eq3A_396 = arith.cmpi eq, %iota3A, %eq3A_395 : vector<16xi32>
    tpu.vector_store_idx %arg8[%get3A_360], %broadcast_in_dim3A_5 masked %eq3A_396 {add = true} : memref<512xf32, #tpu.memory_space<vmem>>[vector<16xi32>], vector<16xf32>, vector<16xi1>
    %eq3A_397 = arith.constant 12 : i32
    %eq3A_398 = vector.broadcast %eq3A_397 : i32 to vector<16xi32>
    %eq3A_399 = arith.cmpi eq, %iota3A, %eq3A_398 : vector<16xi32>
    tpu.vector_store_idx %arg8[%get3A_360], %broadcast_in_dim3A_5 masked %eq3A_399 {add = true} : memref<512xf32, #tpu.memory_space<vmem>>[vector<16xi32>], vector<16xf32>, vector<16xi1>
    %eq3A_400 = arith.constant 13 : i32
    %eq3A_401 = vector.broadcast %eq3A_400 : i32 to vector<16xi32>
    %eq3A_402 = arith.cmpi eq, %iota3A, %eq3A_401 : vector<16xi32>
    tpu.vector_store_idx %arg8[%get3A_360], %broadcast_in_dim3A_5 masked %eq3A_402 {add = true} : memref<512xf32, #tpu.memory_space<vmem>>[vector<16xi32>], vector<16xf32>, vector<16xi1>
    %eq3A_403 = arith.constant 14 : i32
    %eq3A_404 = vector.broadcast %eq3A_403 : i32 to vector<16xi32>
    %eq3A_405 = arith.cmpi eq, %iota3A, %eq3A_404 : vector<16xi32>
    tpu.vector_store_idx %arg8[%get3A_360], %broadcast_in_dim3A_5 masked %eq3A_405 {add = true} : memref<512xf32, #tpu.memory_space<vmem>>[vector<16xi32>], vector<16xf32>, vector<16xi1>
    %eq3A_406 = arith.constant 15 : i32
    %eq3A_407 = vector.broadcast %eq3A_406 : i32 to vector<16xi32>
    %eq3A_408 = arith.cmpi eq, %iota3A, %eq3A_407 : vector<16xi32>
    tpu.vector_store_idx %arg8[%get3A_360], %broadcast_in_dim3A_5 masked %eq3A_408 {add = true} : memref<512xf32, #tpu.memory_space<vmem>>[vector<16xi32>], vector<16xf32>, vector<16xi1>
    %get3A_409 = arith.constant 56 : index
    %get3A_410 = tpu.vector_load %arg6[%get3A_409] {strides = array<i32>} : memref<72xi32, #tpu.memory_space<vmem>>, vector<16xi32>,
    %eq3A_411 = arith.constant 8 : i32
    %eq3A_412 = vector.broadcast %eq3A_411 : i32 to vector<16xi32>
    %eq3A_413 = arith.cmpi eq, %iota3A, %eq3A_412 : vector<16xi32>
    tpu.vector_store_idx %arg8[%get3A_410], %broadcast_in_dim3A_5 masked %eq3A_413 {add = true} : memref<512xf32, #tpu.memory_space<vmem>>[vector<16xi32>], vector<16xf32>, vector<16xi1>
    %eq3A_414 = arith.constant 9 : i32
    %eq3A_415 = vector.broadcast %eq3A_414 : i32 to vector<16xi32>
    %eq3A_416 = arith.cmpi eq, %iota3A, %eq3A_415 : vector<16xi32>
    tpu.vector_store_idx %arg8[%get3A_410], %broadcast_in_dim3A_5 masked %eq3A_416 {add = true} : memref<512xf32, #tpu.memory_space<vmem>>[vector<16xi32>], vector<16xf32>, vector<16xi1>
    %eq3A_417 = arith.constant 10 : i32
    %eq3A_418 = vector.broadcast %eq3A_417 : i32 to vector<16xi32>
    %eq3A_419 = arith.cmpi eq, %iota3A, %eq3A_418 : vector<16xi32>
    tpu.vector_store_idx %arg8[%get3A_410], %broadcast_in_dim3A_5 masked %eq3A_419 {add = true} : memref<512xf32, #tpu.memory_space<vmem>>[vector<16xi32>], vector<16xf32>, vector<16xi1>
    %eq3A_420 = arith.constant 11 : i32
    %eq3A_421 = vector.broadcast %eq3A_420 : i32 to vector<16xi32>
    %eq3A_422 = arith.cmpi eq, %iota3A, %eq3A_421 : vector<16xi32>
    tpu.vector_store_idx %arg8[%get3A_410], %broadcast_in_dim3A_5 masked %eq3A_422 {add = true} : memref<512xf32, #tpu.memory_space<vmem>>[vector<16xi32>], vector<16xf32>, vector<16xi1>
    %eq3A_423 = arith.constant 12 : i32
    %eq3A_424 = vector.broadcast %eq3A_423 : i32 to vector<16xi32>
    %eq3A_425 = arith.cmpi eq, %iota3A, %eq3A_424 : vector<16xi32>
    tpu.vector_store_idx %arg8[%get3A_410], %broadcast_in_dim3A_5 masked %eq3A_425 {add = true} : memref<512xf32, #tpu.memory_space<vmem>>[vector<16xi32>], vector<16xf32>, vector<16xi1>
    %eq3A_426 = arith.constant 13 : i32
    %eq3A_427 = vector.broadcast %eq3A_426 : i32 to vector<16xi32>
    %eq3A_428 = arith.cmpi eq, %iota3A, %eq3A_427 : vector<16xi32>
    tpu.vector_store_idx %arg8[%get3A_410], %broadcast_in_dim3A_5 masked %eq3A_428 {add = true} : memref<512xf32, #tpu.memory_space<vmem>>[vector<16xi32>], vector<16xf32>, vector<16xi1>
    %eq3A_429 = arith.constant 14 : i32
    %eq3A_430 = vector.broadcast %eq3A_429 : i32 to vector<16xi32>
    %eq3A_431 = arith.cmpi eq, %iota3A, %eq3A_430 : vector<16xi32>
    tpu.vector_store_idx %arg8[%get3A_410], %broadcast_in_dim3A_5 masked %eq3A_431 {add = true} : memref<512xf32, #tpu.memory_space<vmem>>[vector<16xi32>], vector<16xf32>, vector<16xi1>
    %eq3A_432 = arith.constant 15 : i32
    %eq3A_433 = vector.broadcast %eq3A_432 : i32 to vector<16xi32>
    %eq3A_434 = arith.cmpi eq, %iota3A, %eq3A_433 : vector<16xi32>
    tpu.vector_store_idx %arg8[%get3A_410], %broadcast_in_dim3A_5 masked %eq3A_434 {add = true} : memref<512xf32, #tpu.memory_space<vmem>>[vector<16xi32>], vector<16xf32>, vector<16xi1>
    %get3A_435 = arith.constant 0 : index
    %get3A_436 = tpu.vector_load %arg8[%get3A_435] {strides = array<i32>} : memref<512xf32, #tpu.memory_space<vmem>>, vector<16xf32>,
    %swap3A_437 = arith.constant 0 : i32
    %swap3A_438 = arith.index_cast %swap3A_437 : i32 to index
    %swap3A_439 = arith.constant 0 : index
    %swap3A_440 = tpu.vector_load %arg9[%swap3A_438, %swap3A_439] {strides = array<i32>} : memref<32x16xf32, #tpu.memory_space<vmem>>, vector<16xf32>,
    tpu.vector_store %arg9[%swap3A_438, %swap3A_439], %get3A_436 {strides = array<i32>} : memref<32x16xf32, #tpu.memory_space<vmem>>, vector<16xf32>,
    %get3A_441 = arith.constant 16 : index
    %get3A_442 = tpu.vector_load %arg8[%get3A_441] {strides = array<i32>} : memref<512xf32, #tpu.memory_space<vmem>>, vector<16xf32>,
    %swap3A_443 = arith.constant 1 : i32
    %swap3A_444 = arith.index_cast %swap3A_443 : i32 to index
    %swap3A_445 = arith.constant 0 : index
    %swap3A_446 = tpu.vector_load %arg9[%swap3A_444, %swap3A_445] {strides = array<i32>} : memref<32x16xf32, #tpu.memory_space<vmem>>, vector<16xf32>,
    tpu.vector_store %arg9[%swap3A_444, %swap3A_445], %get3A_442 {strides = array<i32>} : memref<32x16xf32, #tpu.memory_space<vmem>>, vector<16xf32>,
    %get3A_447 = arith.constant 32 : index
    %get3A_448 = tpu.vector_load %arg8[%get3A_447] {strides = array<i32>} : memref<512xf32, #tpu.memory_space<vmem>>, vector<16xf32>,
    %swap3A_449 = arith.constant 2 : i32
    %swap3A_450 = arith.index_cast %swap3A_449 : i32 to index
    %swap3A_451 = arith.constant 0 : index
    %swap3A_452 = tpu.vector_load %arg9[%swap3A_450, %swap3A_451] {strides = array<i32>} : memref<32x16xf32, #tpu.memory_space<vmem>>, vector<16xf32>,
    tpu.vector_store %arg9[%swap3A_450, %swap3A_451], %get3A_448 {strides = array<i32>} : memref<32x16xf32, #tpu.memory_space<vmem>>, vector<16xf32>,
    %get3A_453 = arith.constant 48 : index
    %get3A_454 = tpu.vector_load %arg8[%get3A_453] {strides = array<i32>} : memref<512xf32, #tpu.memory_space<vmem>>, vector<16xf32>,
    %swap3A_455 = arith.constant 3 : i32
    %swap3A_456 = arith.index_cast %swap3A_455 : i32 to index
    %swap3A_457 = arith.constant 0 : index
    %swap3A_458 = tpu.vector_load %arg9[%swap3A_456, %swap3A_457] {strides = array<i32>} : memref<32x16xf32, #tpu.memory_space<vmem>>, vector<16xf32>,
    tpu.vector_store %arg9[%swap3A_456, %swap3A_457], %get3A_454 {strides = array<i32>} : memref<32x16xf32, #tpu.memory_space<vmem>>, vector<16xf32>,
    %get3A_459 = arith.constant 64 : index
    %get3A_460 = tpu.vector_load %arg8[%get3A_459] {strides = array<i32>} : memref<512xf32, #tpu.memory_space<vmem>>, vector<16xf32>,
    %swap3A_461 = arith.constant 4 : i32
    %swap3A_462 = arith.index_cast %swap3A_461 : i32 to index
    %swap3A_463 = arith.constant 0 : index
    %swap3A_464 = tpu.vector_load %arg9[%swap3A_462, %swap3A_463] {strides = array<i32>} : memref<32x16xf32, #tpu.memory_space<vmem>>, vector<16xf32>,
    tpu.vector_store %arg9[%swap3A_462, %swap3A_463], %get3A_460 {strides = array<i32>} : memref<32x16xf32, #tpu.memory_space<vmem>>, vector<16xf32>,
    %get3A_465 = arith.constant 80 : index
    %get3A_466 = tpu.vector_load %arg8[%get3A_465] {strides = array<i32>} : memref<512xf32, #tpu.memory_space<vmem>>, vector<16xf32>,
    %swap3A_467 = arith.constant 5 : i32
    %swap3A_468 = arith.index_cast %swap3A_467 : i32 to index
    %swap3A_469 = arith.constant 0 : index
    %swap3A_470 = tpu.vector_load %arg9[%swap3A_468, %swap3A_469] {strides = array<i32>} : memref<32x16xf32, #tpu.memory_space<vmem>>, vector<16xf32>,
    tpu.vector_store %arg9[%swap3A_468, %swap3A_469], %get3A_466 {strides = array<i32>} : memref<32x16xf32, #tpu.memory_space<vmem>>, vector<16xf32>,
    %get3A_471 = arith.constant 96 : index
    %get3A_472 = tpu.vector_load %arg8[%get3A_471] {strides = array<i32>} : memref<512xf32, #tpu.memory_space<vmem>>, vector<16xf32>,
    %swap3A_473 = arith.constant 6 : i32
    %swap3A_474 = arith.index_cast %swap3A_473 : i32 to index
    %swap3A_475 = arith.constant 0 : index
    %swap3A_476 = tpu.vector_load %arg9[%swap3A_474, %swap3A_475] {strides = array<i32>} : memref<32x16xf32, #tpu.memory_space<vmem>>, vector<16xf32>,
    tpu.vector_store %arg9[%swap3A_474, %swap3A_475], %get3A_472 {strides = array<i32>} : memref<32x16xf32, #tpu.memory_space<vmem>>, vector<16xf32>,
    %get3A_477 = arith.constant 112 : index
    %get3A_478 = tpu.vector_load %arg8[%get3A_477] {strides = array<i32>} : memref<512xf32, #tpu.memory_space<vmem>>, vector<16xf32>,
    %swap3A_479 = arith.constant 7 : i32
    %swap3A_480 = arith.index_cast %swap3A_479 : i32 to index
    %swap3A_481 = arith.constant 0 : index
    %swap3A_482 = tpu.vector_load %arg9[%swap3A_480, %swap3A_481] {strides = array<i32>} : memref<32x16xf32, #tpu.memory_space<vmem>>, vector<16xf32>,
    tpu.vector_store %arg9[%swap3A_480, %swap3A_481], %get3A_478 {strides = array<i32>} : memref<32x16xf32, #tpu.memory_space<vmem>>, vector<16xf32>,
    %get3A_483 = arith.constant 128 : index
    %get3A_484 = tpu.vector_load %arg8[%get3A_483] {strides = array<i32>} : memref<512xf32, #tpu.memory_space<vmem>>, vector<16xf32>,
    %swap3A_485 = arith.constant 8 : i32
    %swap3A_486 = arith.index_cast %swap3A_485 : i32 to index
    %swap3A_487 = arith.constant 0 : index
    %swap3A_488 = tpu.vector_load %arg9[%swap3A_486, %swap3A_487] {strides = array<i32>} : memref<32x16xf32, #tpu.memory_space<vmem>>, vector<16xf32>,
    tpu.vector_store %arg9[%swap3A_486, %swap3A_487], %get3A_484 {strides = array<i32>} : memref<32x16xf32, #tpu.memory_space<vmem>>, vector<16xf32>,
    %get3A_489 = arith.constant 144 : index
    %get3A_490 = tpu.vector_load %arg8[%get3A_489] {strides = array<i32>} : memref<512xf32, #tpu.memory_space<vmem>>, vector<16xf32>,
    %swap3A_491 = arith.constant 9 : i32
    %swap3A_492 = arith.index_cast %swap3A_491 : i32 to index
    %swap3A_493 = arith.constant 0 : index
    %swap3A_494 = tpu.vector_load %arg9[%swap3A_492, %swap3A_493] {strides = array<i32>} : memref<32x16xf32, #tpu.memory_space<vmem>>, vector<16xf32>,
    tpu.vector_store %arg9[%swap3A_492, %swap3A_493], %get3A_490 {strides = array<i32>} : memref<32x16xf32, #tpu.memory_space<vmem>>, vector<16xf32>,
    %get3A_495 = arith.constant 160 : index
    %get3A_496 = tpu.vector_load %arg8[%get3A_495] {strides = array<i32>} : memref<512xf32, #tpu.memory_space<vmem>>, vector<16xf32>,
    %swap3A_497 = arith.constant 10 : i32
    %swap3A_498 = arith.index_cast %swap3A_497 : i32 to index
    %swap3A_499 = arith.constant 0 : index
    %swap3A_500 = tpu.vector_load %arg9[%swap3A_498, %swap3A_499] {strides = array<i32>} : memref<32x16xf32, #tpu.memory_space<vmem>>, vector<16xf32>,
    tpu.vector_store %arg9[%swap3A_498, %swap3A_499], %get3A_496 {strides = array<i32>} : memref<32x16xf32, #tpu.memory_space<vmem>>, vector<16xf32>,
    %get3A_501 = arith.constant 176 : index
    %get3A_502 = tpu.vector_load %arg8[%get3A_501] {strides = array<i32>} : memref<512xf32, #tpu.memory_space<vmem>>, vector<16xf32>,
    %swap3A_503 = arith.constant 11 : i32
    %swap3A_504 = arith.index_cast %swap3A_503 : i32 to index
    %swap3A_505 = arith.constant 0 : index
    %swap3A_506 = tpu.vector_load %arg9[%swap3A_504, %swap3A_505] {strides = array<i32>} : memref<32x16xf32, #tpu.memory_space<vmem>>, vector<16xf32>,
    tpu.vector_store %arg9[%swap3A_504, %swap3A_505], %get3A_502 {strides = array<i32>} : memref<32x16xf32, #tpu.memory_space<vmem>>, vector<16xf32>,
    %get3A_507 = arith.constant 192 : index
    %get3A_508 = tpu.vector_load %arg8[%get3A_507] {strides = array<i32>} : memref<512xf32, #tpu.memory_space<vmem>>, vector<16xf32>,
    %swap3A_509 = arith.constant 12 : i32
    %swap3A_510 = arith.index_cast %swap3A_509 : i32 to index
    %swap3A_511 = arith.constant 0 : index
    %swap3A_512 = tpu.vector_load %arg9[%swap3A_510, %swap3A_511] {strides = array<i32>} : memref<32x16xf32, #tpu.memory_space<vmem>>, vector<16xf32>,
    tpu.vector_store %arg9[%swap3A_510, %swap3A_511], %get3A_508 {strides = array<i32>} : memref<32x16xf32, #tpu.memory_space<vmem>>, vector<16xf32>,
    %get3A_513 = arith.constant 208 : index
    %get3A_514 = tpu.vector_load %arg8[%get3A_513] {strides = array<i32>} : memref<512xf32, #tpu.memory_space<vmem>>, vector<16xf32>,
    %swap3A_515 = arith.constant 13 : i32
    %swap3A_516 = arith.index_cast %swap3A_515 : i32 to index
    %swap3A_517 = arith.constant 0 : index
    %swap3A_518 = tpu.vector_load %arg9[%swap3A_516, %swap3A_517] {strides = array<i32>} : memref<32x16xf32, #tpu.memory_space<vmem>>, vector<16xf32>,
    tpu.vector_store %arg9[%swap3A_516, %swap3A_517], %get3A_514 {strides = array<i32>} : memref<32x16xf32, #tpu.memory_space<vmem>>, vector<16xf32>,
    %get3A_519 = arith.constant 224 : index
    %get3A_520 = tpu.vector_load %arg8[%get3A_519] {strides = array<i32>} : memref<512xf32, #tpu.memory_space<vmem>>, vector<16xf32>,
    %swap3A_521 = arith.constant 14 : i32
    %swap3A_522 = arith.index_cast %swap3A_521 : i32 to index
    %swap3A_523 = arith.constant 0 : index
    %swap3A_524 = tpu.vector_load %arg9[%swap3A_522, %swap3A_523] {strides = array<i32>} : memref<32x16xf32, #tpu.memory_space<vmem>>, vector<16xf32>,
    tpu.vector_store %arg9[%swap3A_522, %swap3A_523], %get3A_520 {strides = array<i32>} : memref<32x16xf32, #tpu.memory_space<vmem>>, vector<16xf32>,
    %get3A_525 = arith.constant 240 : index
    %get3A_526 = tpu.vector_load %arg8[%get3A_525] {strides = array<i32>} : memref<512xf32, #tpu.memory_space<vmem>>, vector<16xf32>,
    %swap3A_527 = arith.constant 15 : i32
    %swap3A_528 = arith.index_cast %swap3A_527 : i32 to index
    %swap3A_529 = arith.constant 0 : index
    %swap3A_530 = tpu.vector_load %arg9[%swap3A_528, %swap3A_529] {strides = array<i32>} : memref<32x16xf32, #tpu.memory_space<vmem>>, vector<16xf32>,
    tpu.vector_store %arg9[%swap3A_528, %swap3A_529], %get3A_526 {strides = array<i32>} : memref<32x16xf32, #tpu.memory_space<vmem>>, vector<16xf32>,
    %get3A_531 = arith.constant 256 : index
    %get3A_532 = tpu.vector_load %arg8[%get3A_531] {strides = array<i32>} : memref<512xf32, #tpu.memory_space<vmem>>, vector<16xf32>,
    %swap3A_533 = arith.constant 16 : i32
    %swap3A_534 = arith.index_cast %swap3A_533 : i32 to index
    %swap3A_535 = arith.constant 0 : index
    %swap3A_536 = tpu.vector_load %arg9[%swap3A_534, %swap3A_535] {strides = array<i32>} : memref<32x16xf32, #tpu.memory_space<vmem>>, vector<16xf32>,
    tpu.vector_store %arg9[%swap3A_534, %swap3A_535], %get3A_532 {strides = array<i32>} : memref<32x16xf32, #tpu.memory_space<vmem>>, vector<16xf32>,
    %get3A_537 = arith.constant 272 : index
    %get3A_538 = tpu.vector_load %arg8[%get3A_537] {strides = array<i32>} : memref<512xf32, #tpu.memory_space<vmem>>, vector<16xf32>,
    %swap3A_539 = arith.constant 17 : i32
    %swap3A_540 = arith.index_cast %swap3A_539 : i32 to index
    %swap3A_541 = arith.constant 0 : index
    %swap3A_542 = tpu.vector_load %arg9[%swap3A_540, %swap3A_541] {strides = array<i32>} : memref<32x16xf32, #tpu.memory_space<vmem>>, vector<16xf32>,
    tpu.vector_store %arg9[%swap3A_540, %swap3A_541], %get3A_538 {strides = array<i32>} : memref<32x16xf32, #tpu.memory_space<vmem>>, vector<16xf32>,
    %get3A_543 = arith.constant 288 : index
    %get3A_544 = tpu.vector_load %arg8[%get3A_543] {strides = array<i32>} : memref<512xf32, #tpu.memory_space<vmem>>, vector<16xf32>,
    %swap3A_545 = arith.constant 18 : i32
    %swap3A_546 = arith.index_cast %swap3A_545 : i32 to index
    %swap3A_547 = arith.constant 0 : index
    %swap3A_548 = tpu.vector_load %arg9[%swap3A_546, %swap3A_547] {strides = array<i32>} : memref<32x16xf32, #tpu.memory_space<vmem>>, vector<16xf32>,
    tpu.vector_store %arg9[%swap3A_546, %swap3A_547], %get3A_544 {strides = array<i32>} : memref<32x16xf32, #tpu.memory_space<vmem>>, vector<16xf32>,
    %get3A_549 = arith.constant 304 : index
    %get3A_550 = tpu.vector_load %arg8[%get3A_549] {strides = array<i32>} : memref<512xf32, #tpu.memory_space<vmem>>, vector<16xf32>,
    %swap3A_551 = arith.constant 19 : i32
    %swap3A_552 = arith.index_cast %swap3A_551 : i32 to index
    %swap3A_553 = arith.constant 0 : index
    %swap3A_554 = tpu.vector_load %arg9[%swap3A_552, %swap3A_553] {strides = array<i32>} : memref<32x16xf32, #tpu.memory_space<vmem>>, vector<16xf32>,
    tpu.vector_store %arg9[%swap3A_552, %swap3A_553], %get3A_550 {strides = array<i32>} : memref<32x16xf32, #tpu.memory_space<vmem>>, vector<16xf32>,
    %get3A_555 = arith.constant 320 : index
    %get3A_556 = tpu.vector_load %arg8[%get3A_555] {strides = array<i32>} : memref<512xf32, #tpu.memory_space<vmem>>, vector<16xf32>,
    %swap3A_557 = arith.constant 20 : i32
    %swap3A_558 = arith.index_cast %swap3A_557 : i32 to index
    %swap3A_559 = arith.constant 0 : index
    %swap3A_560 = tpu.vector_load %arg9[%swap3A_558, %swap3A_559] {strides = array<i32>} : memref<32x16xf32, #tpu.memory_space<vmem>>, vector<16xf32>,
    tpu.vector_store %arg9[%swap3A_558, %swap3A_559], %get3A_556 {strides = array<i32>} : memref<32x16xf32, #tpu.memory_space<vmem>>, vector<16xf32>,
    %get3A_561 = arith.constant 336 : index
    %get3A_562 = tpu.vector_load %arg8[%get3A_561] {strides = array<i32>} : memref<512xf32, #tpu.memory_space<vmem>>, vector<16xf32>,
    %swap3A_563 = arith.constant 21 : i32
    %swap3A_564 = arith.index_cast %swap3A_563 : i32 to index
    %swap3A_565 = arith.constant 0 : index
    %swap3A_566 = tpu.vector_load %arg9[%swap3A_564, %swap3A_565] {strides = array<i32>} : memref<32x16xf32, #tpu.memory_space<vmem>>, vector<16xf32>,
    tpu.vector_store %arg9[%swap3A_564, %swap3A_565], %get3A_562 {strides = array<i32>} : memref<32x16xf32, #tpu.memory_space<vmem>>, vector<16xf32>,
    %get3A_567 = arith.constant 352 : index
    %get3A_568 = tpu.vector_load %arg8[%get3A_567] {strides = array<i32>} : memref<512xf32, #tpu.memory_space<vmem>>, vector<16xf32>,
    %swap3A_569 = arith.constant 22 : i32
    %swap3A_570 = arith.index_cast %swap3A_569 : i32 to index
    %swap3A_571 = arith.constant 0 : index
    %swap3A_572 = tpu.vector_load %arg9[%swap3A_570, %swap3A_571] {strides = array<i32>} : memref<32x16xf32, #tpu.memory_space<vmem>>, vector<16xf32>,
    tpu.vector_store %arg9[%swap3A_570, %swap3A_571], %get3A_568 {strides = array<i32>} : memref<32x16xf32, #tpu.memory_space<vmem>>, vector<16xf32>,
    %get3A_573 = arith.constant 368 : index
    %get3A_574 = tpu.vector_load %arg8[%get3A_573] {strides = array<i32>} : memref<512xf32, #tpu.memory_space<vmem>>, vector<16xf32>,
    %swap3A_575 = arith.constant 23 : i32
    %swap3A_576 = arith.index_cast %swap3A_575 : i32 to index
    %swap3A_577 = arith.constant 0 : index
    %swap3A_578 = tpu.vector_load %arg9[%swap3A_576, %swap3A_577] {strides = array<i32>} : memref<32x16xf32, #tpu.memory_space<vmem>>, vector<16xf32>,
    tpu.vector_store %arg9[%swap3A_576, %swap3A_577], %get3A_574 {strides = array<i32>} : memref<32x16xf32, #tpu.memory_space<vmem>>, vector<16xf32>,
    %get3A_579 = arith.constant 384 : index
    %get3A_580 = tpu.vector_load %arg8[%get3A_579] {strides = array<i32>} : memref<512xf32, #tpu.memory_space<vmem>>, vector<16xf32>,
    %swap3A_581 = arith.constant 24 : i32
    %swap3A_582 = arith.index_cast %swap3A_581 : i32 to index
    %swap3A_583 = arith.constant 0 : index
    %swap3A_584 = tpu.vector_load %arg9[%swap3A_582, %swap3A_583] {strides = array<i32>} : memref<32x16xf32, #tpu.memory_space<vmem>>, vector<16xf32>,
    tpu.vector_store %arg9[%swap3A_582, %swap3A_583], %get3A_580 {strides = array<i32>} : memref<32x16xf32, #tpu.memory_space<vmem>>, vector<16xf32>,
    %get3A_585 = arith.constant 400 : index
    %get3A_586 = tpu.vector_load %arg8[%get3A_585] {strides = array<i32>} : memref<512xf32, #tpu.memory_space<vmem>>, vector<16xf32>,
    %swap3A_587 = arith.constant 25 : i32
    %swap3A_588 = arith.index_cast %swap3A_587 : i32 to index
    %swap3A_589 = arith.constant 0 : index
    %swap3A_590 = tpu.vector_load %arg9[%swap3A_588, %swap3A_589] {strides = array<i32>} : memref<32x16xf32, #tpu.memory_space<vmem>>, vector<16xf32>,
    tpu.vector_store %arg9[%swap3A_588, %swap3A_589], %get3A_586 {strides = array<i32>} : memref<32x16xf32, #tpu.memory_space<vmem>>, vector<16xf32>,
    %get3A_591 = arith.constant 416 : index
    %get3A_592 = tpu.vector_load %arg8[%get3A_591] {strides = array<i32>} : memref<512xf32, #tpu.memory_space<vmem>>, vector<16xf32>,
    %swap3A_593 = arith.constant 26 : i32
    %swap3A_594 = arith.index_cast %swap3A_593 : i32 to index
    %swap3A_595 = arith.constant 0 : index
    %swap3A_596 = tpu.vector_load %arg9[%swap3A_594, %swap3A_595] {strides = array<i32>} : memref<32x16xf32, #tpu.memory_space<vmem>>, vector<16xf32>,
    tpu.vector_store %arg9[%swap3A_594, %swap3A_595], %get3A_592 {strides = array<i32>} : memref<32x16xf32, #tpu.memory_space<vmem>>, vector<16xf32>,
    %get3A_597 = arith.constant 432 : index
    %get3A_598 = tpu.vector_load %arg8[%get3A_597] {strides = array<i32>} : memref<512xf32, #tpu.memory_space<vmem>>, vector<16xf32>,
    %swap3A_599 = arith.constant 27 : i32
    %swap3A_600 = arith.index_cast %swap3A_599 : i32 to index
    %swap3A_601 = arith.constant 0 : index
    %swap3A_602 = tpu.vector_load %arg9[%swap3A_600, %swap3A_601] {strides = array<i32>} : memref<32x16xf32, #tpu.memory_space<vmem>>, vector<16xf32>,
    tpu.vector_store %arg9[%swap3A_600, %swap3A_601], %get3A_598 {strides = array<i32>} : memref<32x16xf32, #tpu.memory_space<vmem>>, vector<16xf32>,
    %get3A_603 = arith.constant 448 : index
    %get3A_604 = tpu.vector_load %arg8[%get3A_603] {strides = array<i32>} : memref<512xf32, #tpu.memory_space<vmem>>, vector<16xf32>,
    %swap3A_605 = arith.constant 28 : i32
    %swap3A_606 = arith.index_cast %swap3A_605 : i32 to index
    %swap3A_607 = arith.constant 0 : index
    %swap3A_608 = tpu.vector_load %arg9[%swap3A_606, %swap3A_607] {strides = array<i32>} : memref<32x16xf32, #tpu.memory_space<vmem>>, vector<16xf32>,
    tpu.vector_store %arg9[%swap3A_606, %swap3A_607], %get3A_604 {strides = array<i32>} : memref<32x16xf32, #tpu.memory_space<vmem>>, vector<16xf32>,
    %get3A_609 = arith.constant 464 : index
    %get3A_610 = tpu.vector_load %arg8[%get3A_609] {strides = array<i32>} : memref<512xf32, #tpu.memory_space<vmem>>, vector<16xf32>,
    %swap3A_611 = arith.constant 29 : i32
    %swap3A_612 = arith.index_cast %swap3A_611 : i32 to index
    %swap3A_613 = arith.constant 0 : index
    %swap3A_614 = tpu.vector_load %arg9[%swap3A_612, %swap3A_613] {strides = array<i32>} : memref<32x16xf32, #tpu.memory_space<vmem>>, vector<16xf32>,
    tpu.vector_store %arg9[%swap3A_612, %swap3A_613], %get3A_610 {strides = array<i32>} : memref<32x16xf32, #tpu.memory_space<vmem>>, vector<16xf32>,
    %get3A_615 = arith.constant 480 : index
    %get3A_616 = tpu.vector_load %arg8[%get3A_615] {strides = array<i32>} : memref<512xf32, #tpu.memory_space<vmem>>, vector<16xf32>,
    %swap3A_617 = arith.constant 30 : i32
    %swap3A_618 = arith.index_cast %swap3A_617 : i32 to index
    %swap3A_619 = arith.constant 0 : index
    %swap3A_620 = tpu.vector_load %arg9[%swap3A_618, %swap3A_619] {strides = array<i32>} : memref<32x16xf32, #tpu.memory_space<vmem>>, vector<16xf32>,
    tpu.vector_store %arg9[%swap3A_618, %swap3A_619], %get3A_616 {strides = array<i32>} : memref<32x16xf32, #tpu.memory_space<vmem>>, vector<16xf32>,
    %get3A_621 = arith.constant 496 : index
    %get3A_622 = tpu.vector_load %arg8[%get3A_621] {strides = array<i32>} : memref<512xf32, #tpu.memory_space<vmem>>, vector<16xf32>,
    %swap3A_623 = arith.constant 31 : i32
    %swap3A_624 = arith.index_cast %swap3A_623 : i32 to index
    %swap3A_625 = arith.constant 0 : index
    %swap3A_626 = tpu.vector_load %arg9[%swap3A_624, %swap3A_625] {strides = array<i32>} : memref<32x16xf32, #tpu.memory_space<vmem>>, vector<16xf32>,
    tpu.vector_store %arg9[%swap3A_624, %swap3A_625], %get3A_622 {strides = array<i32>} : memref<32x16xf32, #tpu.memory_space<vmem>>, vector<16xf32>,
    "tpu.region"() ({
      %run_scoped3A = tpu.sem_alloc : memref<!tpu.dma_semaphore, #tpu.memory_space<semaphore_mem>>
      %dma_start3A_633 = arith.constant 0 : i32
      %dma_start3A_634 = arith.constant 0 : i32
      %dma_start3A_635 = tpu.memref_slice %arg11[%dma_start3A_633, %dma_start3A_634] : memref<32x16xf32, #tpu.memory_space<vmem_shared>> -> memref<32x16xf32, #tpu.memory_space<vmem_shared>>
      tpu.enqueue_indirect_dma source(%arg9 : memref<32x16xf32, #tpu.memory_space<vmem>>) target(%dma_start3A_635 : memref<32x16xf32, #tpu.memory_space<vmem_shared>>) offsets(%arg10 : memref<32xi32, #tpu.memory_space<vmem>>) semaphore(%run_scoped3A : memref<!tpu.dma_semaphore, #tpu.memory_space<semaphore_mem>>) {add = true}
      %dma_wait3A_636 = arith.constant 0 : i32
      %dma_wait3A_637 = arith.constant 0 : i32
      %dma_wait3A_638 = tpu.memref_slice %arg11[%dma_wait3A_636, %dma_wait3A_637] : memref<32x16xf32, #tpu.memory_space<vmem_shared>> -> memref<32x16xf32, #tpu.memory_space<vmem_shared>>
      tpu.wait_indirect_dma semaphore(%run_scoped3A : memref<!tpu.dma_semaphore, #tpu.memory_space<semaphore_mem>>) src(%arg9 : memref<32x16xf32, #tpu.memory_space<vmem>>) dst(%dma_wait3A_638 : memref<32x16xf32, #tpu.memory_space<vmem_shared>>)
      tpu.yield
    }) : () -> ()
    %barrier3A_627 = arith.constant 0 : index
    tpu.barrier barrier_id(%barrier3A_627)
    %eq3A_628 = arith.constant 0 : i32
    %eq3A_629 = arith.cmpi eq, %arg1, %eq3A_628 : i32
    %convert_element_type3A_630 = arith.extui %eq3A_629 : i1 to i32
    %cond3A_631 = arith.constant 0 : i32
    %cond3A_632 = arith.cmpi ne, %convert_element_type3A_630, %cond3A_631 : i32
    scf.if %cond3A_632 {
      "tpu.region"() ({
        %run_scoped3A = tpu.sem_alloc : memref<!tpu.dma_semaphore, #tpu.memory_space<semaphore_mem>>
        %dma_start3A_633 = arith.constant 0 : i32
        %dma_start3A_634 = arith.constant 0 : i32
        %dma_start3A_635 = tpu.memref_slice %arg5[%arg0, %dma_start3A_633, %dma_start3A_634] : memref<2x32x16xf32, #tpu.memory_space<hbm>> -> memref<1x32x16xf32, #tpu.memory_space<hbm>>
        %dma_start3A_636 = tpu.memref_squeeze %dma_start3A_635 : memref<1x32x16xf32, #tpu.memory_space<hbm>> -> memref<32x16xf32, #tpu.memory_space<hbm>>
        tpu.enqueue_dma source(%arg11 : memref<32x16xf32, #tpu.memory_space<vmem_shared>>) target(%dma_start3A_636 : memref<32x16xf32, #tpu.memory_space<hbm>>) target_semaphore(%run_scoped3A : memref<!tpu.dma_semaphore, #tpu.memory_space<semaphore_mem>>)
        %dma_wait3A_637 = arith.constant 0 : i32
        %dma_wait3A_638 = arith.constant 0 : i32
        %dma_wait3A_639 = tpu.memref_slice %arg5[%arg0, %dma_wait3A_637, %dma_wait3A_638] : memref<2x32x16xf32, #tpu.memory_space<hbm>> -> memref<1x32x16xf32, #tpu.memory_space<hbm>>
        %dma_wait3A_640 = tpu.memref_squeeze %dma_wait3A_639 : memref<1x32x16xf32, #tpu.memory_space<hbm>> -> memref<32x16xf32, #tpu.memory_space<hbm>>
        tpu.wait_dma2 semaphore(%run_scoped3A : memref<!tpu.dma_semaphore, #tpu.memory_space<semaphore_mem>>) src(%arg11 : memref<32x16xf32, #tpu.memory_space<vmem_shared>>) dst(%dma_wait3A_640 : memref<32x16xf32, #tpu.memory_space<hbm>>)
        tpu.yield
      }) : () -> ()
    } else {
    }
    return
  }
}

module attributes {stable_mosaic.version = 14 : i64} {
  func.func @_tc_body(%arg0: i32, %arg1: memref<1x384x576xf32, #tpu.memory_space<vmem>>, %arg2: memref<64x384xf32, #tpu.memory_space<vmem>>, %arg3: memref<512x64xf32, #tpu.memory_space<vmem>>, %arg4: memref<1x1x576xf32, #tpu.memory_space<vmem>>, %arg5: memref<1x1x576xi32, #tpu.memory_space<vmem>>, %arg6: memref<1x1x576xf32, #tpu.memory_space<vmem>>, %arg7: memref<512x1xf32, #tpu.memory_space<vmem>>) attributes {dimension_semantics = [#tpu.dimension_semantics<arbitrary>], iteration_bounds = array<i64: 4>, scalar_prefetch = 0 : i64, scratch_operands = 0 : i64, tpu.core_type = #tpu.core_type<tc>, window_params = [{transform_indices = @transform_0, window_bounds = array<i64: 1, 384, 576>}, {pipeline_mode = #tpu.pipeline_mode<synchronous>, transform_indices = @transform_1, window_bounds = array<i64: 64, 384>}, {pipeline_mode = #tpu.pipeline_mode<synchronous>, transform_indices = @transform_2, window_bounds = array<i64: 512, 64>}, {transform_indices = @transform_3, window_bounds = array<i64: 1, 1, 576>}, {transform_indices = @transform_4, window_bounds = array<i64: 1, 1, 576>}, {transform_indices = @transform_5, window_bounds = array<i64: 1, 1, 576>}, {pipeline_mode = #tpu.pipeline_mode<synchronous>, transform_indices = @transform_6, window_bounds = array<i64: 512, 1>}]} {
    %get3A = arith.constant 0 : index
    %get3A_0 = arith.constant 0 : index
    %get3A_1 = arith.constant 0 : index
    %get3A_2 = vector.load %arg1[%get3A, %get3A_0, %get3A_1] : memref<1x384x576xf32, #tpu.memory_space<vmem>>, vector<1x384x576xf32>
    %get3A_3 = vector.shape_cast %get3A_2 : vector<1x384x576xf32> to vector<384x576xf32>
    %get3A_4 = arith.constant 0 : index
    %get3A_5 = arith.constant 0 : index
    %get3A_6 = vector.load %arg2[%get3A_4, %get3A_5] : memref<64x384xf32, #tpu.memory_space<vmem>>, vector<64x384xf32>
    %get3A_7 = arith.constant 0 : index
    %get3A_8 = arith.constant 0 : index
    %get3A_9 = vector.load %arg3[%get3A_7, %get3A_8] : memref<512x64xf32, #tpu.memory_space<vmem>>, vector<512x64xf32>
    %dot_general3A = arith.constant dense<0.000000e+00> : vector<64x576xf32>
    %dot_general3A_10 = tpu.matmul %get3A_6, %get3A_3, %dot_general3A {dimension_numbers = #tpu.dot_dimension_numbers<[1], [0], [0], [1], [0, 0, 1, 1], [], []>, transpose_lhs_hint = false} : vector<64x384xf32>, vector<384x576xf32>, vector<64x576xf32> -> vector<64x576xf32>
    %dot_general3A_11 = arith.constant dense<0.000000e+00> : vector<512x576xf32>
    %dot_general3A_12 = tpu.matmul %get3A_9, %dot_general3A_10, %dot_general3A_11 {dimension_numbers = #tpu.dot_dimension_numbers<[1], [0], [0], [1], [0, 0, 1, 1], [], []>, precision = #tpu.contract_precision<fp32>, transpose_lhs_hint = false} : vector<512x64xf32>, vector<64x576xf32>, vector<512x576xf32> -> vector<512x576xf32>
    %mul3A = arith.mulf %get3A_9, %get3A_9 : vector<512x64xf32>
    %reduce_sum3A = arith.constant dense<0.000000e+00> : vector<512xf32>
    %reduce_sum3A_13 = vector.multi_reduction <add>, %mul3A, %reduce_sum3A [1] : vector<512x64xf32> to vector<512xf32>
    %broadcast_in_dim3A = vector.shape_cast %reduce_sum3A_13 : vector<512xf32> to vector<512x1xf32>
    %mul3A_14 = arith.mulf %dot_general3A_10, %dot_general3A_10 : vector<64x576xf32>
    %reduce_sum3A_15 = arith.constant dense<0.000000e+00> : vector<576xf32>
    %reduce_sum3A_16 = vector.multi_reduction <add>, %mul3A_14, %reduce_sum3A_15 [0] : vector<64x576xf32> to vector<576xf32>
    %broadcast_in_dim3A_17 = vector.shape_cast %reduce_sum3A_16 : vector<576xf32> to vector<1x576xf32>
    %mul3A_18 = arith.constant 2.000000e+00 : f32
    %mul3A_19 = vector.broadcast %mul3A_18 : f32 to vector<512x576xf32>
    %mul3A_20 = arith.mulf %mul3A_19, %dot_general3A_12 : vector<512x576xf32>
    %sub3A = vector.broadcast %broadcast_in_dim3A : vector<512x1xf32> to vector<512x576xf32>
    %sub3A_21 = arith.subf %sub3A, %mul3A_20 : vector<512x576xf32>
    %reduce_min3A = arith.constant dense<0x7F800000> : vector<576xf32>
    %reduce_min3A_22 = vector.multi_reduction <minimumf>, %sub3A_21, %reduce_min3A [0] : vector<512x576xf32> to vector<576xf32>
    %broadcast_in_dim3A_23 = vector.shape_cast %reduce_min3A_22 : vector<576xf32> to vector<1x576xf32>
    %iota3A = tpu.iota {dimensions = array<i32: 0>} : vector<512x576xi32>
    %eq3A = vector.broadcast %broadcast_in_dim3A_23 : vector<1x576xf32> to vector<512x576xf32>
    %eq3A_24 = arith.cmpf oeq, %sub3A_21, %eq3A : vector<512x576xf32>
    %jit3A = arith.constant 512 : i32
    %broadcast_in_dim3A_25 = vector.broadcast %jit3A : i32 to vector<512x576xi32>
    %select_n3A = arith.select %eq3A_24, %iota3A, %broadcast_in_dim3A_25 : vector<512x576xi1>, vector<512x576xi32>
    %reduce_min3A_26 = arith.constant dense<2147483647> : vector<576xi32>
    %reduce_min3A_27 = vector.multi_reduction <minsi>, %select_n3A, %reduce_min3A_26 [0] : vector<512x576xi32> to vector<576xi32>
    %broadcast_in_dim3A_28 = vector.shape_cast %reduce_min3A_27 : vector<576xi32> to vector<1x576xi32>
    %add3A = arith.addf %broadcast_in_dim3A_23, %broadcast_in_dim3A_17 : vector<1x576xf32>
    %broadcast_in_dim3A_29 = vector.shape_cast %add3A : vector<1x576xf32> to vector<1x1x576xf32>
    %swap3A = arith.constant 0 : index
    %swap3A_30 = arith.constant 0 : index
    %swap3A_31 = arith.constant 0 : index
    %swap3A_32 = vector.load %arg4[%swap3A, %swap3A_30, %swap3A_31] : memref<1x1x576xf32, #tpu.memory_space<vmem>>, vector<1x1x576xf32>
    tpu.vector_store %arg4[%swap3A, %swap3A_30, %swap3A_31], %broadcast_in_dim3A_29 {strides = array<i32>} : memref<1x1x576xf32, #tpu.memory_space<vmem>>, vector<1x1x576xf32>,
    %broadcast_in_dim3A_33 = vector.shape_cast %broadcast_in_dim3A_28 : vector<1x576xi32> to vector<1x1x576xi32>
    %swap3A_34 = arith.constant 0 : index
    %swap3A_35 = arith.constant 0 : index
    %swap3A_36 = arith.constant 0 : index
    %swap3A_37 = vector.load %arg5[%swap3A_34, %swap3A_35, %swap3A_36] : memref<1x1x576xi32, #tpu.memory_space<vmem>>, vector<1x1x576xi32>
    tpu.vector_store %arg5[%swap3A_34, %swap3A_35, %swap3A_36], %broadcast_in_dim3A_33 {strides = array<i32>} : memref<1x1x576xi32, #tpu.memory_space<vmem>>, vector<1x1x576xi32>,
    %sqrt3A = math.sqrt %broadcast_in_dim3A_17 : vector<1x576xf32>
    %broadcast_in_dim3A_38 = vector.shape_cast %sqrt3A : vector<1x576xf32> to vector<1x1x576xf32>
    %swap3A_39 = arith.constant 0 : index
    %swap3A_40 = arith.constant 0 : index
    %swap3A_41 = arith.constant 0 : index
    %swap3A_42 = vector.load %arg6[%swap3A_39, %swap3A_40, %swap3A_41] : memref<1x1x576xf32, #tpu.memory_space<vmem>>, vector<1x1x576xf32>
    tpu.vector_store %arg6[%swap3A_39, %swap3A_40, %swap3A_41], %broadcast_in_dim3A_38 {strides = array<i32>} : memref<1x1x576xf32, #tpu.memory_space<vmem>>, vector<1x1x576xf32>,
    %sqrt3A_43 = math.sqrt %broadcast_in_dim3A : vector<512x1xf32>
    %swap3A_44 = arith.constant 0 : index
    %swap3A_45 = arith.constant 0 : index
    %swap3A_46 = vector.load %arg7[%swap3A_44, %swap3A_45] : memref<512x1xf32, #tpu.memory_space<vmem>>, vector<512x1xf32>
    tpu.vector_store %arg7[%swap3A_44, %swap3A_45], %sqrt3A_43 {strides = array<i32>} : memref<512x1xf32, #tpu.memory_space<vmem>>, vector<512x1xf32>,
    return
  }
  func.func @transform_0(%arg0: i32) -> (i32, i32, i32) {
    %c0_i32 = arith.constant 0 : i32
    %c0_i32_0 = arith.constant 0 : i32
    %c0_i32_1 = arith.constant 0 : i32
    return %arg0, %c0_i32, %c0_i32_0 : i32, i32, i32
  }
  func.func @transform_1(%arg0: i32) -> (i32, i32) {
    %c0_i32 = arith.constant 0 : i32
    %c0_i32_0 = arith.constant 0 : i32
    %c0_i32_1 = arith.constant 0 : i32
    return %c0_i32, %c0_i32_0 : i32, i32
  }
  func.func @transform_2(%arg0: i32) -> (i32, i32) {
    %c0_i32 = arith.constant 0 : i32
    %c0_i32_0 = arith.constant 0 : i32
    %c0_i32_1 = arith.constant 0 : i32
    return %c0_i32, %c0_i32_0 : i32, i32
  }
  func.func @transform_3(%arg0: i32) -> (i32, i32, i32) {
    %c0_i32 = arith.constant 0 : i32
    %c0_i32_0 = arith.constant 0 : i32
    %c0_i32_1 = arith.constant 0 : i32
    return %arg0, %c0_i32, %c0_i32_0 : i32, i32, i32
  }
  func.func @transform_4(%arg0: i32) -> (i32, i32, i32) {
    %c0_i32 = arith.constant 0 : i32
    %c0_i32_0 = arith.constant 0 : i32
    %c0_i32_1 = arith.constant 0 : i32
    return %arg0, %c0_i32, %c0_i32_0 : i32, i32, i32
  }
  func.func @transform_5(%arg0: i32) -> (i32, i32, i32) {
    %c0_i32 = arith.constant 0 : i32
    %c0_i32_0 = arith.constant 0 : i32
    %c0_i32_1 = arith.constant 0 : i32
    return %arg0, %c0_i32, %c0_i32_0 : i32, i32, i32
  }
  func.func @transform_6(%arg0: i32) -> (i32, i32) {
    %c0_i32 = arith.constant 0 : i32
    %c0_i32_0 = arith.constant 0 : i32
    %c0_i32_1 = arith.constant 0 : i32
    return %c0_i32, %c0_i32_0 : i32, i32
  }
}

</mosaic_0001>

<sc_bundles>
// kernel: kernel.4.cloned.1.call-start
scs
__scs_entry_jumppad:
0x0: {  	(pc) =	sbr.rel $0x88, $3  }
0x1: {  	(tag) =	ssettag $0x0;
	lr =	simm.s32 $0x1  }
0x2: {  	[smem:$0x3F9E] =	sst lr;
	_ =	strace $0xD0000000  }
0x3: {  	_ = 	snop  }
0x4: {  	_ = 	snop  }
0x5: {  	_ = 	snop  }
0x6: {  	_ = 	snop  }
0x7: {  	_ = 	snop  }
__scs_overlays_trampoline_lowered:
0x8: {  	[smem:$0x3FAD] =	sst s0  }
0x9: {  	[smem:$0x3FAE] =	sst s1  }
0xa: {  	[smem:$0x3FAF] =	sst s2  }
0xb: {  	[smem:$0x3FB0] =	sst s3  }
0xc: {  	[smem:$0x3FB1] =	sst s4  }
0xd: {  	[smem:$0x3FB2] =	sst s5  }
0xe: {  	[smem:$0x3FB3] =	sst s6  }
0xf: {  	[smem:$0x3FB4] =	sst s7  }
0x10: {  	[smem:$0x3FB5] =	sst s8  }
0x11: {  	[smem:$0x3FB6] =	sst s9;
	s0 =	simm.s32 @!p0 $0x0  }
0x12: {  	s1 =	sld [smem:$0x3F9C];
	s0 =	simm.s32 @p0 $0x1  }
0x13: {  	[smem:$0x3FB7] =	sst s0;
	s0 =	simm.s32 @!p1 $0x0  }
0x14: {  	s2 =	sld [smem:$0x3F9B];
	s0 =	simm.s32 @p1 $0x1  }
0x15: {  	[smem:$0x3FB8] =	sst s0;
	s0 =	simm.s32 @!p2 $0x0  }
0x16: {  	s3 =	sld [smem:$0x3FDB];
	s0 =	simm.s32 @p2 $0x1  }
0x17: {  	s4 =	simm.s32 $0x1BF5;
	[smem:$0x3FBA] =	sst s0  }
0x18: {  	s0 =	sld [smem:$0x3F9D];
	_ =	swait.ge [sflag:s4], $0x0  }
0x19: {  	s7 =	sld [smem:$0x3F9E]  }
0x1a: {  	s8 =	sadd.s32 $0xFFFFE003, lr  }
0x1b: {  	s9 =	sadd.s32 $0xFFFFFEF7, lr;
	s5 =	simm.s32 $0xFFFFFFFF;
	p2 =	slt.u32 s8, $0xFFFFF086  }
0x1c: {  	p1 =	slt.u32 s9, $0xF7A;
	s5 =	simm.s32 @!p2 $0x0  }
0x1d: {  	s5 =	simm.s32 @p1 $0x1;
	p0 =	seq.s32 s7, s2  }
0x1e: {  	s7 =	smul.u32 @!p0 $0xF7A, s2;
	p2 =	seq.s32 @!p0 s5, $0x0  }
0x1f: {  	s9 =	smul.u32 $0xF7A, s1;
	s8 =	simm.s32 @!p0 $0x1BF5;
	p2 =	por !p2, p0  }
0x20: {  	[sflag:s8] =	ssyncset.s32 @!p0 $0xFFFFF086;
	s6 =	sadd.s32 @!p0 s3, s7;
	s7 =	simm.s32 @!p0 $0x108  }
0x21: {  	s3 =	sadd.s32 s3, s9;
	s6 =	sadd.s32 @!p0 $0x88, s6;
	s7 =	simm.s32 @p2 $0x1082  }
0x22: {  	[simem:s7], [sflag:s8] =	dma.local @!p0 [hbm:s6], $0xF7A  }
0x23: {  	s9 =	sor.u32 $0xD0000000, s2;
	s6 =	simm.s32 $0x108;
	_ =	swait.ge @!p0 [sflag:s8], $0x0  }
0x24: {  	s3 =	sadd.s32 $0x88, s3;
	s6 =	simm.s32 @!p1 $0x1082;
	[sflag:s4] =	ssyncset.s32 $0xFFFFF086  }
0x25: {  	[simem:s6], [sflag:s4] =	dma.local [hbm:s3], $0xF7A  }
0x26: {  	[smem:$0x3F9E] =	sst s1;
	(tag) =	ssettag s2;
	_ =	strace s9  }
0x27: {  	s1 =	sld [smem:$0x3FAE]  }
0x28: {  	s2 =	sld [smem:$0x3FAF]  }
0x29: {  	s4 =	sld [smem:$0x3FB1]  }
0x2a: {  	p0 =	seq.s32 s5, $0x0;
	s5 =	sld [smem:$0x3FB2]  }
0x2b: {  	s6 =	sld [smem:$0x3FB3]  }
0x2c: {  	s7 =	sld [smem:$0x3FB4]  }
0x2d: {  	s3 =	simm.s32 $0x108;
	s8 =	sld [smem:$0x3FB5]  }
0x2e: {  	s3 =	simm.s32 @!p0 $0x1082;
	s9 =	sld [smem:$0x3FB6]  }
0x2f: {  	lr =	sadd.s32 s0, s3;
	s0 =	sld [smem:$0x3FAD]  }
0x30: {  	s3 =	sld [smem:$0x3FB0]  }
0x31: {  	[smem:$0x3FB9] =	sst s10  }
0x32: {  	s10 =	sld [smem:$0x3FB7];
	_ =	sdelay $0x3  }
0x33: {  	p0 =	seq.s32 s10, $0x1;
	s10 =	sld [smem:$0x3FB9];
	_ =	sdelay $0x3  }
0x34: {  	[smem:$0x3FB9] =	sst s10  }
0x35: {  	s10 =	sld [smem:$0x3FB8];
	_ =	sdelay $0x3  }
0x36: {  	p1 =	seq.s32 s10, $0x1;
	s10 =	sld [smem:$0x3FB9];
	_ =	sdelay $0x3  }
0x37: {  	[smem:$0x3FB9] =	sst s10  }
0x38: {  	s10 =	sld [smem:$0x3FBA]  }
0x39: {  	_ = 	snop;
	(pc) =	sbr.ind lr, $3  }
0x3a: {  	_ = 	snop  }
0x3b: {  	_ = 	snop  }
0x3c: {  	p2 =	seq.s32 s10, $0x1;
	s10 =	sld [smem:$0x3FB9]  }
0x3d: {  	_ =	shalt  }
0x3e: {  	_ =	shalt  }
0x3f: {  	_ =	shalt  }
0x40: {  	_ =	shalt  }
0x41: {  	_ =	shalt  }
0x42: {  	_ =	shalt  }
0x43: {  	_ =	shalt  }
0x44: {  	_ =	shalt  }
0x45: {  	_ =	shalt  }
0x46: {  	_ =	shalt  }
0x47: {  	_ =	shalt  }
0x48: {  	_ =	shalt  }
0x49: {  	_ =	shalt  }
0x4a: {  	_ =	shalt  }
0x4b: {  	_ =	shalt  }
0x4c: {  	_ =	shalt  }
0x4d: {  	_ =	shalt  }
0x4e: {  	_ =	shalt  }
0x4f: {  	_ =	shalt  }
0x50: {  	_ =	shalt  }
0x51: {  	_ =	shalt  }
0x52: {  	_ =	shalt  }
0x53: {  	_ =	shalt  }
0x54: {  	_ =	shalt  }
0x55: {  	_ =	shalt  }
0x56: {  	_ =	shalt  }
0x57: {  	_ =	shalt  }
0x58: {  	_ =	shalt  }
0x59: {  	_ =	shalt  }
0x5a: {  	_ =	shalt  }
0x5b: {  	_ =	shalt  }
0x5c: {  	_ =	shalt  }
0x5d: {  	_ =	shalt  }
0x5e: {  	_ =	shalt  }
0x5f: {  	_ =	shalt  }
0x60: {  	_ =	shalt  }
0x61: {  	_ =	shalt  }
0x62: {  	_ =	shalt  }
0x63: {  	_ =	shalt  }
0x64: {  	_ =	shalt  }
0x65: {  	_ =	shalt  }
0x66: {  	_ =	shalt  }
0x67: {  	_ =	shalt  }
0x68: {  	_ =	shalt  }
0x69: {  	_ =	shalt  }
0x6a: {  	_ =	shalt  }
0x6b: {  	_ =	shalt  }
0x6c: {  	_ =	shalt  }
0x6d: {  	_ =	shalt  }
0x6e: {  	_ =	shalt  }
0x6f: {  	_ =	shalt  }
0x70: {  	_ =	shalt  }
0x71: {  	_ =	shalt  }
0x72: {  	_ =	shalt  }
0x73: {  	_ =	shalt  }
0x74: {  	_ =	shalt  }
0x75: {  	_ =	shalt  }
0x76: {  	_ =	shalt  }
0x77: {  	_ =	shalt  }
0x78: {  	_ =	shalt  }
0x79: {  	_ =	shalt  }
0x7a: {  	_ =	shalt  }
0x7b: {  	_ =	shalt  }
0x7c: {  	_ =	shalt  }
0x7d: {  	_ =	shalt  }
0x7e: {  	_ =	shalt  }
0x7f: {  	_ =	shalt  }
0x80: {  	_ =	shalt  }
0x81: {  	_ =	shalt  }
0x82: {  	_ =	shalt  }
0x83: {  	_ =	shalt  }
0x84: {  	_ =	shalt  }
0x85: {  	_ =	shalt  }
0x86: {  	_ =	shalt  }
0x87: {  	_ =	shalt  }
.Lfunc_end0:
.L_simem_size_0:
called_computation_lowered:
.L_overlay_start_0:
0x88: {  	s2 =	sld [smem:$0x3FD9]  }
0x89: {  	s3 =	sld [smem:$0x3FFE];
	_ =	sdelay $0x1  }
0x8a: {  	s1 =	srdreg.scid  }
0x8b: {  	s0 =	sand.u32 $0x1, s1  }
0x8c: {  	s14 =	sshll.u32 s0, $0xA;
	s2 =	sadd.s32 s3, s2  }
0x8d: {  	s2 =	sadd.s32 s2, s14  }
0x8e: {  	[smem:$0x3FC5] =	sst s2  }
0x8f: {  	_ = 	snop  }
0x90: {  	s2 =	sld [smem:$0x3FD0];
	_ =	sdelay $0x2  }
0x91: {  	s15 =	simm.s32 $0xA;
	s4 =	simm.s32 $0x10  }
0x92: {  	[smem:s4], [sflag:s15] =	dma.local [hbm:s2], $0x1  }
0x93: {  	_ =	swait.eq [sflag:s15], $0x1  }
0x94: {  	[sflag:s15] =	ssyncset.done $0x0  }
0x95: {  	[sflag:s15] =	ssyncadd.s32 $0xFFFFFFFF  }
0x96: {  	s16 =	sld [smem:$0x10];
	(tm) =	ssettm $0x1  }
0x97: {  	s17 =	sld [smem:$0x3FFB];
	_ =	sdelay $0x3  }
0x98: {  	_ =	strace s17  }
0x99: {  	s3 =	sld [smem:$0x3FFC];
	_ =	sdelay $0x3  }
0x9a: {  	_ =	strace s3  }
0x9b: {  	s3 =	sld [smem:$0x3FFD];
	_ =	sdelay $0x3  }
0x9c: {  	_ =	strace s3  }
0x9d: {  	_ =	strace $0x8FFFFFFF  }
0x9e: {  	s18 =	sld [smem:$0x3FDB];
	_ =	sdelay $0x1  }
0x9f: {  	s19 =	simm.s32 $_scs_section_size  }
0xa0: {  	s5 =	simm.s32 $_size__tile_overlayer_lowered;
	s6 =	simm.s32 $_tile_overlayer_lowered  }
0xa1: {  	s22 =	simm.s32 $0x1BFF;
	s21 =	sshll.u32 s6, $0x1;
	s3 =	sadd.s32 s19, s18  }
0xa2: {  	s7 =	simm.s32 $0x0;
	s20 =	sshll.u32 s5, $0x1;
	s5 =	sadd.s32 s21, s3  }
0xa3: {  	[timem:s7], [sflag:s22] =	dma.local [hbm:s5], s20  }
0xa4: {  	_ =	swait.ge [sflag:s22], s20  }
0xa5: {  	s4 =	ssub.s32 $0x0, s20;
	[sflag:s22] =	ssyncset.done $0x0  }
0xa6: {  	[sflag:s22] =	ssyncadd.s32 s4;
	_ =	sdelay $0x1  }
0xa7: {  	s23 =	simm.s32 $0x1B8B  }
0xa8: {  	_ =	swait.ge [sflag:s23], $0x1  }
0xa9: {  	[sflag:s23] =	ssyncset.done $0x0  }
0xaa: {  	s25 =	simm.s32 $0x1B8E;
	s24 =	sld [smem:$0x3FFE];
	[sflag:s23] =	ssyncadd.s32 $0xFFFFFFFF  }
0xab: {  	s26 =	simm.s32 $execute0_lowered;
	[smem:$0x3FD2] =	sst s25  }
0xac: {  	s5 =	sshll.u32 s26, $0x1;
	_ =	strace $0x80000046;
	[dreg:$0x1] =	wrdreg $0xFFFFFFFF  }
0xad: {  	s28 =	simm.s32 $_size_execute0_lowered;
	s3 =	sadd.s32 s3, s5;
	[dreg:$0x0] =	wrdreg $0x0  }
0xae: {  	s5 =	sshll.u32 s28, $0x1;
	[dreg:$0x2] =	wrdreg s3  }
0xaf: {  	[dreg:$0x3] =	wrdreg s5  }
0xb0: {  	[dreg:$0x4] =	wrdreg $0xC0  }
0xb1: {  	_ =	task [dreg:s7], $0x5FFFF  }
0xb2: {  	[dreg:$0x1] =	wrdreg $0xFFFFFFFF  }
0xb3: {  	[dreg:$0x0] =	wrdreg $0x60  }
0xb4: {  	[dreg:$0x2] =	wrdreg s24  }
0xb5: {  	[dreg:$0x3] =	wrdreg s16  }
0xb6: {  	[dreg:$0x4] =	wrdreg $0x16680  }
0xb7: {  	[dreg:$0x5] =	wrdreg $0x9  }
0xb8: {  	_ =	task.clear_ibuf [dreg:s7], $0x6FFFF;
	_ =	strace $0x90000046  }
0xb9: {  	s29 =	simm.s32 $0x9;
	_ =	strace $0x80000048  }
0xba: {  	_ =	swait.ge [sflag:s29], $0x1  }
0xbb: {  	[sflag:s29] =	ssyncadd.s32 $0xFFFFFFFF  }
0xbc: {  	_ =	strace $0x90000048  }
0xbd: {  	_ =	sfence  }
0xbe: {  	s30 =	sld [smem:$0x0];
	_ =	sdelay $0x2  }
0xbf: {  	s31 =	sshll.u32 s1, $0xD;
	s1 =	sshrl.u32 s1, $0x2  }
0xc0: {  	s3 =	sand.u32 $0x4000, s31;
	s1 =	sadd.s32 s1, s30  }
0xc1: {  	s0 =	sor.u32 s3, s0;
	s1 =	sshll.u32 s1, $0x11  }
0xc2: {  	s0 =	sor.u32 s1, s0  }
0xc3: {  	s0 =	sadd.s32 $0x8F2B, s0  }
0xc4: {  	[sflag:s0] =	ssyncadd.remote.s32 $0x1  }
0xc5: {  	_ =	sfence.sel $0xFFFF  }
0xc6: {  	[dreg:$0x0] =	wrdreg $0xFFFFFFFF;
	(pc) =	sbr.abs _section_cstart, $3  }
0xc7: {  	[dreg:$0x1] =	wrdreg $0xFFFFFFFF  }
0xc8: {  	_ =	task.clear_ibuf [dreg:s7], $0x2FFFF;
	_ =	strace $0x9FFFFFFF  }
0xc9: {  	(tm) =	ssettm $0x7FFFFFFF  }
tec
execute0_lowered:
.L_overlay_start_1:
0x0: {  	(tag) =	ssettag $0x1  }
0x1: {  	s0 =	rddreg [dreg:$0x0]  }
0x2: {  	s1 =	srdreg.scid;
	s5 =	rddreg [dreg:$0x1]  }
0x3: {  	s8 =	stileid.u32;
	s2 =	rddreg [dreg:$0x2];
	s3 =	simm.s32 $0x0  }
0x4: {  	s12 =	simm.s32 $0x20;
	s13 =	simm.s32 $0x1648;
	s14 =	simm.s32 $0x1448  }
0x5: {  	s4 =	sand.u32 $0x1, s1;
	s31 =	sshll.u32 s8, $0x1;
	s1 =	rddreg [dreg:$0x3]  }
0x6: {  	v0 =	vlaneseq.u32;
	[smem:$0x7FF] =	sst s3;
	p0 =	sne.s32 s8, $0x0;
	s8 =	simm.s32 $0x2  }
0x7: {  	v1 =	vimm.f32 $0.0e+00;
	v3 =	vimm.f32 $1.000000000e+00;
	vm0 =	vcmask $0x704;
	s6 =	sor.u32 s4, s31;
	_ =	strace $0x80000047;
	s9 =	ssub.s32 $0x2, s4  }
0x8: {  	vm1 =	vcmask $0xB08;
	vm2 =	vcmask $0xF0C;
	vm3 =	vcmask $0x1310;
	s4 =	sshll.u32 s4, $0x6;
	s15 =	sshrl.u32 @!p0 s2, $0x3;
	s7 =	smul.u32 $0x9, s6  }
0x9: {  	vm4 =	vcmask $0x1714;
	vm5 =	vcmask $0x1B18;
	vm6 =	vcmask $0x1F1C;
	s10 =	sshrl.u32 s9, $0x1;
	s6 =	smul.u32 $0x240, s6;
	s11 =	sadd.s32 s4, s0  }
0xa: {  	vm7 =	vcmask $0x2320;
	vm8 =	vcmask $0x2724;
	vm9 =	vcmask $0x2B28;
	s9 =	ssub.s32 s9, s10;
	s10 =	simm.s32 $0x1;
	s7 =	sadd.s32 s7, s0  }
0xb: {  	vm10 =	vcmask $0x2F2C;
	vm11 =	vcmask $0x3330;
	vm12 =	vcmask $0x3734;
	s5 =	sadd.s32 s5, s6;
	s6 =	sadd.s32 $0x1200, s11;
	s11 =	simm.s32 $0x1248  }
0xc: {  	vm13 =	vcmask $0x3B38;
	vm14 =	vcmask $0x3F3C;
	v2 =	vor.u32 $0x10, v0;
	s4 =	sadd.s32 $0x1000, s7;
	s7 =	smax.u32 s9, $0x1;
	s9 =	simm.s32 $0x48  }
.LBB2_1:
0xd: {  	[tilespmem:$0x1248] =	vst v1  }
0xe: {  	[tilespmem:$0x1448] =	vst v1  }
0xf: {  	[tilespmem:$0x1258] =	vst v1  }
0x10: {  	[tilespmem:$0x1458] =	vst v1  }
0x11: {  	[tilespmem:$0x1268] =	vst v1  }
0x12: {  	[tilespmem:$0x1468] =	vst v1  }
0x13: {  	[tilespmem:$0x1278] =	vst v1  }
0x14: {  	[tilespmem:$0x1478] =	vst v1  }
0x15: {  	[tilespmem:$0x1288] =	vst v1  }
0x16: {  	[tilespmem:$0x1488] =	vst v1  }
0x17: {  	[tilespmem:$0x1298] =	vst v1  }
0x18: {  	[tilespmem:$0x1498] =	vst v1  }
0x19: {  	[tilespmem:$0x12A8] =	vst v1  }
0x1a: {  	[tilespmem:$0x14A8] =	vst v1  }
0x1b: {  	[tilespmem:$0x12B8] =	vst v1  }
0x1c: {  	[tilespmem:$0x14B8] =	vst v1  }
0x1d: {  	[tilespmem:$0x12C8] =	vst v1  }
0x1e: {  	[tilespmem:$0x14C8] =	vst v1  }
0x1f: {  	[tilespmem:$0x12D8] =	vst v1  }
0x20: {  	[tilespmem:$0x14D8] =	vst v1  }
0x21: {  	[tilespmem:$0x12E8] =	vst v1  }
0x22: {  	[tilespmem:$0x14E8] =	vst v1  }
0x23: {  	[tilespmem:$0x12F8] =	vst v1  }
0x24: {  	[tilespmem:$0x14F8] =	vst v1  }
0x25: {  	[tilespmem:$0x1308] =	vst v1  }
0x26: {  	[tilespmem:$0x1508] =	vst v1  }
0x27: {  	[tilespmem:$0x1318] =	vst v1  }
0x28: {  	[tilespmem:$0x1518] =	vst v1  }
0x29: {  	[tilespmem:$0x1328] =	vst v1  }
0x2a: {  	[tilespmem:$0x1528] =	vst v1  }
0x2b: {  	[tilespmem:$0x1338] =	vst v1  }
0x2c: {  	[tilespmem:$0x1538] =	vst v1  }
0x2d: {  	[tilespmem:$0x1348] =	vst v1  }
0x2e: {  	[tilespmem:$0x1548] =	vst v1  }
0x2f: {  	[tilespmem:$0x1358] =	vst v1  }
0x30: {  	[tilespmem:$0x1558] =	vst v1  }
0x31: {  	[tilespmem:$0x1368] =	vst v1  }
0x32: {  	[tilespmem:$0x1568] =	vst v1  }
0x33: {  	[tilespmem:$0x1378] =	vst v1  }
0x34: {  	[tilespmem:$0x1578] =	vst v1  }
0x35: {  	[tilespmem:$0x1388] =	vst v1  }
0x36: {  	[tilespmem:$0x1588] =	vst v1  }
0x37: {  	[tilespmem:$0x1398] =	vst v1  }
0x38: {  	[tilespmem:$0x1598] =	vst v1  }
0x39: {  	[tilespmem:$0x13A8] =	vst v1  }
0x3a: {  	[tilespmem:$0x15A8] =	vst v1  }
0x3b: {  	[tilespmem:$0x13B8] =	vst v1  }
0x3c: {  	[tilespmem:$0x15B8] =	vst v1  }
0x3d: {  	[tilespmem:$0x13C8] =	vst v1  }
0x3e: {  	[tilespmem:$0x15C8] =	vst v1  }
0x3f: {  	[tilespmem:$0x13D8] =	vst v1  }
0x40: {  	[tilespmem:$0x15D8] =	vst v1  }
0x41: {  	[tilespmem:$0x13E8] =	vst v1  }
0x42: {  	[tilespmem:$0x15E8] =	vst v1  }
0x43: {  	[tilespmem:$0x13F8] =	vst v1  }
0x44: {  	[tilespmem:$0x15F8] =	vst v1  }
0x45: {  	[tilespmem:$0x1408] =	vst v1  }
0x46: {  	[tilespmem:$0x1608] =	vst v1  }
0x47: {  	[tilespmem:$0x1418] =	vst v1  }
0x48: {  	[tilespmem:$0x1618] =	vst v1  }
0x49: {  	[tilespmem:$0x1428] =	vst v1  }
0x4a: {  	[tilespmem:$0x1628] =	vst v1  }
0x4b: {  	[tilespmem:$0x1438] =	vst v1  }
0x4c: {  	[tilespmem:$0x1638] =	vst v1  }
0x4d: {  	[tilespmem:$0x1648] =	vst v0  }
0x4e: {  	[tilespmem:$0x1658] =	vst v2;
	s16 =	simm.s32 @!p0 $0x1448  }
0x4f: {  	[spmem:s2] =	stream.linear.scatter @!p0 [tilespmem:s16], [sflag:$0x2], $0x200, $0x38;
	[tilespmem:$0x1688] =	vst v63  }
0x50: {  	s16 =	simm.s32 @!p0 $0x2  }
0x51: {  	_ =	swait.ge @!p0 [sflag:s16], $0x200  }
0x52: {  	[sflag:s16] =	ssyncset.done @!p0 $0x0  }
0x53: {  	[sflag:s16] =	ssyncadd.s32 @!p0 $0xFFFFFE00  }
0x54: {  	[bflag:$0x0] =	sbarrier.arrive $0xFFFF  }
0x55: {  	[tilespmem:s3], [sflag:$0x2] =	stream.linear.gather [hbm4b:s4+s3], $0x48, $0x38;
	[tilespmem:$0x1688] =	vst v63  }
0x56: {  	_ =	swait.ge [sflag:s8], $0x48  }
0x57: {  	[sflag:s8] =	ssyncset.done $0x0  }
0x58: {  	[sflag:s8] =	ssyncadd.s32 $0xFFFFFFB8  }
0x59: {  	[tilespmem:s9], [sflag:$0x1] =	stream.indirect.gather [hbm4b:s0+s9], $0x40, s3, s9, $0xb8;
	[tilespmem:$0x1688] =	vst v63  }
0x5a: {  	_ =	swait.ge [sflag:s10], $0x1200  }
0x5b: {  	[sflag:s10] =	ssyncset.done $0x0  }
0x5c: {  	[sflag:s10] =	ssyncadd.s32 $0xFFFFEE00  }
0x5d: {  	[hbm4b:s5+s3] =	stream.linear.scatter [tilespmem:s9], [sflag:$0x2], $0x1200, $0x38;
	[tilespmem:$0x1688] =	vst v63  }
0x5e: {  	_ =	swait.ge [sflag:s8], $0x1200  }
0x5f: {  	[sflag:s8] =	ssyncset.done $0x0  }
0x60: {  	[sflag:s8] =	ssyncadd.s32 $0xFFFFEE00  }
0x61: {  	v4 =	vld [tilespmem:$0x0];
	_ =	sdelay $0x7  }
0x62: {  	[tilespmem:v4+s11+$0x0] =	vst.idx.add.f32.msk $0x1, v3  }
0x63: {  	[tilespmem:v4+s11+$0x0] =	vst.idx.add.f32.msk vm0, v3  }
0x64: {  	[tilespmem:v4+s11+$0x0] =	vst.idx.add.f32.msk vm1, v3  }
0x65: {  	[tilespmem:v4+s11+$0x0] =	vst.idx.add.f32.msk vm2, v3  }
0x66: {  	[tilespmem:v4+s11+$0x0] =	vst.idx.add.f32.msk vm3, v3  }
0x67: {  	[tilespmem:v4+s11+$0x0] =	vst.idx.add.f32.msk vm4, v3  }
0x68: {  	[tilespmem:v4+s11+$0x0] =	vst.idx.add.f32.msk vm5, v3  }
0x69: {  	[tilespmem:v4+s11+$0x0] =	vst.idx.add.f32.msk vm6, v3  }
0x6a: {  	[tilespmem:v4+s11+$0x0] =	vst.idx.add.f32.msk vm7, v3  }
0x6b: {  	[tilespmem:v4+s11+$0x0] =	vst.idx.add.f32.msk vm8, v3  }
0x6c: {  	[tilespmem:v4+s11+$0x0] =	vst.idx.add.f32.msk vm9, v3  }
0x6d: {  	[tilespmem:v4+s11+$0x0] =	vst.idx.add.f32.msk vm10, v3  }
0x6e: {  	[tilespmem:v4+s11+$0x0] =	vst.idx.add.f32.msk vm11, v3  }
0x6f: {  	[tilespmem:v4+s11+$0x0] =	vst.idx.add.f32.msk vm12, v3  }
0x70: {  	[tilespmem:v4+s11+$0x0] =	vst.idx.add.f32.msk vm13, v3  }
0x71: {  	[tilespmem:v4+s11+$0x0] =	vst.idx.add.f32.msk vm14, v3  }
0x72: {  	v4 =	vld [tilespmem:$0x10];
	_ =	sdelay $0x7  }
0x73: {  	[tilespmem:v4+s11+$0x0] =	vst.idx.add.f32.msk $0x1, v3  }
0x74: {  	[tilespmem:v4+s11+$0x0] =	vst.idx.add.f32.msk vm0, v3  }
0x75: {  	[tilespmem:v4+s11+$0x0] =	vst.idx.add.f32.msk vm1, v3  }
0x76: {  	[tilespmem:v4+s11+$0x0] =	vst.idx.add.f32.msk vm2, v3  }
0x77: {  	[tilespmem:v4+s11+$0x0] =	vst.idx.add.f32.msk vm3, v3  }
0x78: {  	[tilespmem:v4+s11+$0x0] =	vst.idx.add.f32.msk vm4, v3  }
0x79: {  	[tilespmem:v4+s11+$0x0] =	vst.idx.add.f32.msk vm5, v3  }
0x7a: {  	[tilespmem:v4+s11+$0x0] =	vst.idx.add.f32.msk vm6, v3  }
0x7b: {  	[tilespmem:v4+s11+$0x0] =	vst.idx.add.f32.msk vm7, v3  }
0x7c: {  	[tilespmem:v4+s11+$0x0] =	vst.idx.add.f32.msk vm8, v3  }
0x7d: {  	[tilespmem:v4+s11+$0x0] =	vst.idx.add.f32.msk vm9, v3  }
0x7e: {  	[tilespmem:v4+s11+$0x0] =	vst.idx.add.f32.msk vm10, v3  }
0x7f: {  	[tilespmem:v4+s11+$0x0] =	vst.idx.add.f32.msk vm11, v3  }
0x80: {  	[tilespmem:v4+s11+$0x0] =	vst.idx.add.f32.msk vm12, v3  }
0x81: {  	[tilespmem:v4+s11+$0x0] =	vst.idx.add.f32.msk vm13, v3  }
0x82: {  	[tilespmem:v4+s11+$0x0] =	vst.idx.add.f32.msk vm14, v3  }
0x83: {  	v4 =	vld [tilespmem:$0x20];
	_ =	sdelay $0x7  }
0x84: {  	[tilespmem:v4+s11+$0x0] =	vst.idx.add.f32.msk $0x1, v3  }
0x85: {  	[tilespmem:v4+s11+$0x0] =	vst.idx.add.f32.msk vm0, v3  }
0x86: {  	[tilespmem:v4+s11+$0x0] =	vst.idx.add.f32.msk vm1, v3  }
0x87: {  	[tilespmem:v4+s11+$0x0] =	vst.idx.add.f32.msk vm2, v3  }
0x88: {  	[tilespmem:v4+s11+$0x0] =	vst.idx.add.f32.msk vm3, v3  }
0x89: {  	[tilespmem:v4+s11+$0x0] =	vst.idx.add.f32.msk vm4, v3  }
0x8a: {  	[tilespmem:v4+s11+$0x0] =	vst.idx.add.f32.msk vm5, v3  }
0x8b: {  	[tilespmem:v4+s11+$0x0] =	vst.idx.add.f32.msk vm6, v3  }
0x8c: {  	[tilespmem:v4+s11+$0x0] =	vst.idx.add.f32.msk vm7, v3  }
0x8d: {  	[tilespmem:v4+s11+$0x0] =	vst.idx.add.f32.msk vm8, v3  }
0x8e: {  	[tilespmem:v4+s11+$0x0] =	vst.idx.add.f32.msk vm9, v3  }
0x8f: {  	[tilespmem:v4+s11+$0x0] =	vst.idx.add.f32.msk vm10, v3  }
0x90: {  	[tilespmem:v4+s11+$0x0] =	vst.idx.add.f32.msk vm11, v3  }
0x91: {  	[tilespmem:v4+s11+$0x0] =	vst.idx.add.f32.msk vm12, v3  }
0x92: {  	[tilespmem:v4+s11+$0x0] =	vst.idx.add.f32.msk vm13, v3  }
0x93: {  	[tilespmem:v4+s11+$0x0] =	vst.idx.add.f32.msk vm14, v3  }
0x94: {  	v4 =	vld [tilespmem:$0x30];
	_ =	sdelay $0x7  }
0x95: {  	[tilespmem:v4+s11+$0x0] =	vst.idx.add.f32.msk $0x1, v3  }
0x96: {  	[tilespmem:v4+s11+$0x0] =	vst.idx.add.f32.msk vm0, v3  }
0x97: {  	[tilespmem:v4+s11+$0x0] =	vst.idx.add.f32.msk vm1, v3  }
0x98: {  	[tilespmem:v4+s11+$0x0] =	vst.idx.add.f32.msk vm2, v3  }
0x99: {  	[tilespmem:v4+s11+$0x0] =	vst.idx.add.f32.msk vm3, v3  }
0x9a: {  	[tilespmem:v4+s11+$0x0] =	vst.idx.add.f32.msk vm4, v3  }
0x9b: {  	[tilespmem:v4+s11+$0x0] =	vst.idx.add.f32.msk vm5, v3  }
0x9c: {  	[tilespmem:v4+s11+$0x0] =	vst.idx.add.f32.msk vm6, v3  }
0x9d: {  	[tilespmem:v4+s11+$0x0] =	vst.idx.add.f32.msk vm7, v3  }
0x9e: {  	[tilespmem:v4+s11+$0x0] =	vst.idx.add.f32.msk vm8, v3  }
0x9f: {  	[tilespmem:v4+s11+$0x0] =	vst.idx.add.f32.msk vm9, v3  }
0xa0: {  	[tilespmem:v4+s11+$0x0] =	vst.idx.add.f32.msk vm10, v3  }
0xa1: {  	[tilespmem:v4+s11+$0x0] =	vst.idx.add.f32.msk vm11, v3  }
0xa2: {  	[tilespmem:v4+s11+$0x0] =	vst.idx.add.f32.msk vm12, v3  }
0xa3: {  	[tilespmem:v4+s11+$0x0] =	vst.idx.add.f32.msk vm13, v3  }
0xa4: {  	[tilespmem:v4+s11+$0x0] =	vst.idx.add.f32.msk vm14, v3  }
0xa5: {  	v4 =	vld [tilespmem:$0x38];
	_ =	sdelay $0x7  }
0xa6: {  	[tilespmem:v4+s11+$0x0] =	vst.idx.add.f32.msk vm7, v3  }
0xa7: {  	[tilespmem:v4+s11+$0x0] =	vst.idx.add.f32.msk vm8, v3  }
0xa8: {  	[tilespmem:v4+s11+$0x0] =	vst.idx.add.f32.msk vm9, v3  }
0xa9: {  	[tilespmem:v4+s11+$0x0] =	vst.idx.add.f32.msk vm10, v3  }
0xaa: {  	[tilespmem:v4+s11+$0x0] =	vst.idx.add.f32.msk vm11, v3  }
0xab: {  	[tilespmem:v4+s11+$0x0] =	vst.idx.add.f32.msk vm12, v3  }
0xac: {  	[tilespmem:v4+s11+$0x0] =	vst.idx.add.f32.msk vm13, v3  }
0xad: {  	[tilespmem:v4+s11+$0x0] =	vst.idx.add.f32.msk vm14, v3  }
0xae: {  	v4 =	vld [tilespmem:$0x1248]  }
0xaf: {  	v5 =	vld [tilespmem:$0x1258]  }
0xb0: {  	v6 =	vld [tilespmem:$0x1268]  }
0xb1: {  	v7 =	vld [tilespmem:$0x1278]  }
0xb2: {  	v8 =	vld [tilespmem:$0x1288]  }
0xb3: {  	[tilespmem:$0x1448] =	vst v4;
	v4 =	vld [tilespmem:$0x1298]  }
0xb4: {  	[tilespmem:$0x1458] =	vst v5;
	v5 =	vld [tilespmem:$0x12A8]  }
0xb5: {  	v49 =	vld [tilespmem:$0x12B8];
	[tilespmem:$0x1468] =	vst v6  }
0xb6: {  	v50 =	vld [tilespmem:$0x12C8];
	[tilespmem:$0x1478] =	vst v7  }
0xb7: {  	v51 =	vld [tilespmem:$0x12D8];
	[tilespmem:$0x1488] =	vst v8  }
0xb8: {  	[tilespmem:$0x1498] =	vst v4;
	v4 =	vld [tilespmem:$0x12E8]  }
0xb9: {  	[tilespmem:$0x14A8] =	vst v5;
	v5 =	vld [tilespmem:$0x12F8]  }
0xba: {  	v52 =	vld [tilespmem:$0x1308];
	[tilespmem:$0x14B8] =	vst v49  }
0xbb: {  	v53 =	vld [tilespmem:$0x1318];
	[tilespmem:$0x14C8] =	vst v50  }
0xbc: {  	v54 =	vld [tilespmem:$0x1328];
	[tilespmem:$0x14D8] =	vst v51  }
0xbd: {  	[tilespmem:$0x14E8] =	vst v4;
	v4 =	vld [tilespmem:$0x1338]  }
0xbe: {  	[tilespmem:$0x14F8] =	vst v5;
	v5 =	vld [tilespmem:$0x1348]  }
0xbf: {  	v55 =	vld [tilespmem:$0x1358];
	[tilespmem:$0x1508] =	vst v52  }
0xc0: {  	v56 =	vld [tilespmem:$0x1368];
	[tilespmem:$0x1518] =	vst v53  }
0xc1: {  	v57 =	vld [tilespmem:$0x1378];
	[tilespmem:$0x1528] =	vst v54  }
0xc2: {  	[tilespmem:$0x1538] =	vst v4;
	v4 =	vld [tilespmem:$0x1388]  }
0xc3: {  	[tilespmem:$0x1548] =	vst v5;
	v5 =	vld [tilespmem:$0x1398]  }
0xc4: {  	v58 =	vld [tilespmem:$0x13A8];
	[tilespmem:$0x1558] =	vst v55  }
0xc5: {  	v59 =	vld [tilespmem:$0x13B8];
	[tilespmem:$0x1568] =	vst v56  }
0xc6: {  	v60 =	vld [tilespmem:$0x13C8];
	[tilespmem:$0x1578] =	vst v57  }
0xc7: {  	[tilespmem:$0x1588] =	vst v4;
	v4 =	vld [tilespmem:$0x13D8]  }
0xc8: {  	[tilespmem:$0x1598] =	vst v5;
	v5 =	vld [tilespmem:$0x13E8]  }
0xc9: {  	v61 =	vld [tilespmem:$0x13F8];
	[tilespmem:$0x15A8] =	vst v58  }
0xca: {  	v62 =	vld [tilespmem:$0x1408];
	[tilespmem:$0x15B8] =	vst v59  }
0xcb: {  	v63 =	vld [tilespmem:$0x1418];
	[tilespmem:$0x15C8] =	vst v60  }
0xcc: {  	[tilespmem:$0x15D8] =	vst v4;
	v4 =	vld [tilespmem:$0x1428]  }
0xcd: {  	[tilespmem:$0x15E8] =	vst v5;
	v5 =	vld [tilespmem:$0x1438]  }
0xce: {  	[tilespmem:$0x15F8] =	vst v61  }
0xcf: {  	[tilespmem:$0x1608] =	vst v62  }
0xd0: {  	[tilespmem:$0x1618] =	vst v63  }
0xd1: {  	[tilespmem:$0x1628] =	vst v4  }
0xd2: {  	[tilespmem:$0x1638] =	vst v5  }
0xd3: {  	[spmem:s2] =	stream.indirect.scatter.add.f32 [tilespmem:s14], [sflag:$0x2], $0x10, s13, s12, $0xb8;
	[tilespmem:$0x1688] =	vst v63  }
0xd4: {  	_ =	swait.ge [sflag:s8], $0x200  }
0xd5: {  	s7 =	sadd.s32 $0xFFFFFFFF, s7;
	[sflag:s8] =	ssyncset.done $0x0  }
0xd6: {  	p1 =	sne.s32 s7, $0x0;
	[sflag:s8] =	ssyncadd.s32 $0xFFFFFE00  }
.Ltmp0:
0xd7: {  	s17 =	simm.s32 @!p0 $0x1C02;
	[bflag:$0x0] =	sbarrier.arrive $0xFFFF;
	(pc) =	sbr.rel @p1 .LBB2_1-.Ltmp0, $4  }
0xd8: {  	[hbm:s6], [sflag:s17] =	dma.local @!p0 [spmem:s15], $0x40  }
0xd9: {  	_ =	swait.ge @!p0 [sflag:s16], $0x40  }
0xda: {  	[sflag:s16] =	ssyncset.done @!p0 $0x0  }
0xdb: {  	[sflag:s16] =	ssyncadd.s32 @!p0 $0xFFFFFFC0  }
0xdc: {  	_ =	sfence.sel $0x180000  }
0xdd: {  	[bflag:$0x0] =	sbarrier.arrive $0xFFFF  }
0xde: {  	_ =	strace $0x90000047  }
0xdf: {  	s0 =	sadd.s32 @!p0 $0x100000, s1;
	[bflag:$0x2] =	sbarrier.arrive $0xFFFF  }
0xe0: {  	[sflag:s0] =	ssyncadd.tile.s32 @!p0 $0x1;
	_ =	shalt  }
.Lfunc_end2:
_tile_overlayer_lowered:
.L_overlay_start_2:
0xe1: {  	(tag) =	ssettag $0x2  }
0xe2: {  	s0 =	rddreg [dreg:$0x0];
	s2 =	stileid.u32  }
0xe3: {  	s1 =	rddreg [dreg:$0x1];
	p0 =	sne.s32 s2, $0x0  }
0xe4: {  	s3 =	rddreg [dreg:$0x2];
	[bflag:$0x3] =	sbarrier.arrive $0xFFFF;
	s2 =	simm.s32 @!p0 $0x1C02  }
0xe5: {  	[timem:s3], [sflag:s2] =	dma.local @!p0 [hbm:s0], s1  }
0xe6: {  	s0 =	simm.s32 @!p0 $0x2  }
0xe7: {  	_ =	swait.ge @!p0 [sflag:s0], s1  }
0xe8: {  	s1 =	ssub.s32 @!p0 $0x0, s1;
	[sflag:s0] =	ssyncset.done @!p0 $0x0  }
0xe9: {  	[sflag:s0] =	ssyncadd.s32 @!p0 s1  }
0xea: {  	[bflag:$0x3] =	sbarrier.arrive $0xFFFF  }
0xeb: {  	_ =	shalt  }

</sc_bundles>
